<compile_context>
chip_gen: v7x
topology: tpu7x:2x2x1
jax: 0.10.2.dev20260603
libtpu: 0.0.44.dev20260713+nightly
codegen_flags: <defaults>
</compile_context>

<pallas_src>
import functools

import jax
import jax.numpy as jnp
from jax import lax
from jax.experimental import pallas as pl
from jax.experimental.pallas import tpu as pltpu
from jax.experimental.pallas import tpu_sc as plsc

L = 16
NBUF = 6
DEPTH = 4


@functools.partial(jax.jit, static_argnums=(3, 4))
def _lookup(ids_flat, original_weight, new_weight, n_orig, n_new):
    total = ids_flat.shape[0]
    d = original_weight.shape[1]

    info = plsc.get_sparse_core_info()
    nw = info.num_cores * info.num_subcores
    per_w = total // nw
    sub_rows = 128
    chunk = sub_rows
    n_chunk = per_w // chunk
    g_per_chunk = chunk // L

    mesh = plsc.VectorSubcoreMesh(core_axis_name="c", subcore_axis_name="s")

    @functools.partial(
        pl.kernel,
        mesh=mesh,
        compiler_params=pltpu.CompilerParams(needs_layout_passes=False),
        out_type=jax.ShapeDtypeStruct((total, d), jnp.float32),
        scratch_types=[
            pltpu.VMEM((n_new, d), jnp.float32),
            pltpu.VMEM((per_w,), jnp.int32),
            pltpu.VMEM((per_w,), jnp.int32),
            pltpu.SMEM((n_chunk,), jnp.int32),
            *([pltpu.VMEM((chunk, d), jnp.float32)] * NBUF),
            pltpu.SemaphoreType.DMA,
            pltpu.SemaphoreType.DMA,
            pltpu.SemaphoreType.DMA,
        ],
    )
    def k(ids_hbm, orig_hbm, new_hbm, out_hbm,
          new_v, raw_v, clip_v, flags_s, *rows_and_sems):
        rows = rows_and_sems[:NBUF]
        gsem, osem, nsem = rows_and_sems[NBUF:]
        wid = lax.axis_index("s") * info.num_cores + lax.axis_index("c")
        base = wid * per_w

        cp_new = pltpu.async_copy(new_hbm, new_v, nsem)
        pltpu.sync_copy(ids_hbm.at[pl.ds(base, per_w)], raw_v)

        lim = jnp.full((L,), n_orig - 1, jnp.int32)
        big = jnp.full((L,), n_orig, jnp.int32)
        zero = jnp.zeros((L,), jnp.int32)
        lane = jnp.arange(L, dtype=jnp.int32)
        one = jnp.full((L,), 1, jnp.int32)

        def clip_chunk(c):
            def clip_body(g, acc, c=c):
                off = c * chunk + g * L
                v = raw_v[pl.ds(off, L)]
                clip_v[pl.ds(off, L)] = jnp.minimum(v, lim)
                return acc + jnp.where(v >= big, one, zero)

            acc = lax.fori_loop(0, g_per_chunk, clip_body, zero)
            flags_s[c] = plsc.all_reduce_population_count(acc > 0)[0]

        def fire_gather(c):
            return [
                pltpu.async_copy(
                    orig_hbm.at[clip_v.at[pl.ds(c * chunk, chunk)]],
                    rows[c % NBUF], gsem),
            ]

        def fire_out(c):
            return pltpu.async_copy(
                rows[c % NBUF],
                out_hbm.at[pl.ds(base + c * chunk, chunk)], osem)

        def patch(c, buf):
            @pl.when(flags_s[c] > 0)
            def _():
                def group_body(g, carry):
                    v = raw_v[pl.ds(c * chunk + g * L, L)]
                    mask = v >= big

                    @pl.when(plsc.all_reduce_population_count(mask)[0] > 0)
                    def _():
                        nidx = jnp.minimum(
                            jnp.maximum(v - big, zero),
                            jnp.full((L,), n_new - 1, jnp.int32))
                        row_ids = jnp.full((L,), g * L, jnp.int32) + lane

                        def col_body(cb, cc):
                            cvec = jnp.full((L,), cb, jnp.int32)
                            vals = plsc.load_gather(new_v, [nidx, cvec],
                                                    mask=mask)
                            plsc.store_scatter(buf, [row_ids, cvec], vals,
                                               mask=mask)
                            return cc

                        lax.fori_loop(0, d, col_body, 0)

                    return carry

                lax.fori_loop(0, g_per_chunk, group_body, 0)

        gcp = [None] * n_chunk
        ocp = [None] * n_chunk
        head = min(DEPTH, n_chunk)
        for c in range(head):
            clip_chunk(c)
            gcp[c] = fire_gather(c)
        for c in range(head, n_chunk):
            clip_chunk(c)
        cp_new.wait()

        waited = set()
        for c in range(n_chunk):
            for cp in gcp[c]:
                cp.wait()
            patch(c, rows[c % NBUF])
            ocp[c] = fire_out(c)
            nxt = c + DEPTH
            if nxt < n_chunk:
                if nxt >= NBUF:
                    ocp[nxt - NBUF].wait()
                    waited.add(nxt - NBUF)
                gcp[nxt] = fire_gather(nxt)
        for j in range(n_chunk):
            if j not in waited:
                ocp[j].wait()

    return k(ids_flat, original_weight, new_weight)


def kernel(input_ids, original_weight, new_weight):
    b, s = input_ids.shape
    n_orig, d = original_weight.shape
    n_new = new_weight.shape[0]
    ids_flat = input_ids.reshape(-1).astype(jnp.int32)
    out = _lookup(ids_flat, original_weight, new_weight, n_orig, n_new)
    return out.reshape(b, s, d)

# --- scband reference (transcript-rebuilt; emitter-appended) ---
"""Pipeline reference for scband-splitted-embedding-67130338836657 (READ-ONLY COPY).

The authoritative reference and input builder live on the scoring server;
editing this copy changes nothing except your own understanding.
"""

import jax, jax.numpy as jnp
import numpy as np

N_ORIG = 100000
N_NEW = 128
EMBED_DIM = 128
BATCH = 4
SEQ = 8192

def setup_inputs(seed: int = 0) -> dict:
    key = jax.random.key(seed)
    k1, k2, k3 = jax.random.split(key, 3)
    input_ids = jax.random.randint(k1, (BATCH, SEQ), 0, N_ORIG + N_NEW, dtype=jnp.int64 if jax.config.jax_enable_x64 else jnp.int32)
    original_weight = jax.random.normal(k2, (N_ORIG, EMBED_DIM), dtype=jnp.float32) * 0.02
    new_weight = jax.random.normal(k3, (N_NEW, EMBED_DIM), dtype=jnp.float32) * 0.02
    return {"input_ids": input_ids, "original_weight": original_weight, "new_weight": new_weight}

def reference(input_ids, original_weight, new_weight):
    # padding_idx is None in this configuration, so no clamp is applied (faithful to torch branch).
    n_orig = original_weight.shape[0]
    n_new = new_weight.shape[0]
    original_mask = input_ids < n_orig  # [B, S]
    # gather from original table (indices clipped for safety on masked-out positions)
    orig_ids = jnp.clip(input_ids, 0, n_orig - 1)
    orig_emb = jnp.take(original_weight, orig_ids, axis=0)  # [B, S, D]
    # gather from new table
    new_ids = jnp.clip(input_ids - n_orig, 0, n_new - 1)
    new_emb = jnp.take(new_weight, new_ids, axis=0)  # [B, S, D]
    embeddings = jnp.where(original_mask[..., None], orig_emb, new_emb)
    return embeddings

if __name__ == "__main__":
    import jax
    _d = setup_inputs()
    print(jax.jit(kernel)(*tuple(_d.values())))

</pallas_src>

<mosaic_0001>
#map = affine_map<(d0, d1) -> (0)>
#map1 = affine_map<(d0, d1) -> (0, 0)>
module attributes {stable_mosaic.version = 14 : i64} {
  func.func @k(%arg0: i32, %arg1: i32, %arg2: memref<32768xi32, #tpu.memory_space<hbm>>, %arg3: memref<100000x128xf32, #tpu.memory_space<hbm>>, %arg4: memref<128x128xf32, #tpu.memory_space<hbm>>, %arg5: memref<32768x128xf32, #tpu.memory_space<hbm>>, %arg6: memref<128x128xf32, #tpu.memory_space<vmem>>, %arg7: memref<1024xi32, #tpu.memory_space<vmem>>, %arg8: memref<1024xi32, #tpu.memory_space<vmem>>, %arg9: memref<8xi32, #tpu.memory_space<smem>>, %arg10: memref<128x128xf32, #tpu.memory_space<vmem>>, %arg11: memref<128x128xf32, #tpu.memory_space<vmem>>, %arg12: memref<128x128xf32, #tpu.memory_space<vmem>>, %arg13: memref<128x128xf32, #tpu.memory_space<vmem>>, %arg14: memref<128x128xf32, #tpu.memory_space<vmem>>, %arg15: memref<128x128xf32, #tpu.memory_space<vmem>>, %arg16: memref<!tpu.dma_semaphore, #tpu.memory_space<semaphore_mem>>, %arg17: memref<!tpu.dma_semaphore, #tpu.memory_space<semaphore_mem>>, %arg18: memref<!tpu.dma_semaphore, #tpu.memory_space<semaphore_mem>>) attributes {dimension_semantics = [#tpu.dimension_semantics<core_parallel>, #tpu.dimension_semantics<subcore_parallel>], iteration_bounds = array<i64: 2, 16>, scalar_prefetch = 0 : i64, scratch_operands = 13 : i64, tpu.core_type = #tpu.core_type<sc_vector_subcore>, window_params = [{transform_indices = #map}, {transform_indices = #map1}, {transform_indices = #map1}, {transform_indices = #map1}]} {
    %mul3A = arith.constant 2 : i32
    %mul3A_0 = arith.muli %arg1, %mul3A : i32
    %add3A = arith.addi %mul3A_0, %arg0 : i32
    %mul3A_1 = arith.constant 1024 : i32
    %mul3A_2 = arith.muli %add3A, %mul3A_1 : i32
    tpu.enqueue_dma source(%arg4 : memref<128x128xf32, #tpu.memory_space<hbm>>) target(%arg6 : memref<128x128xf32, #tpu.memory_space<vmem>>) target_semaphore(%arg18 : memref<!tpu.dma_semaphore, #tpu.memory_space<semaphore_mem>>)
    "tpu.region"() ({
      %run_scoped3A = tpu.sem_alloc : memref<!tpu.dma_semaphore, #tpu.memory_space<semaphore_mem>>
      %dma_start3A_343 = tpu.memref_slice %arg2[%mul3A_2] : memref<32768xi32, #tpu.memory_space<hbm>> -> memref<1024xi32, #tpu.memory_space<hbm>>
      %dma_start3A_344 = tpu.memref_slice %arg2[%mul3A_2] : memref<32768xi32, #tpu.memory_space<hbm>> -> memref<1024xi32, #tpu.memory_space<hbm>>
      tpu.enqueue_dma source(%dma_start3A_344 : memref<1024xi32, #tpu.memory_space<hbm>>) target(%arg7 : memref<1024xi32, #tpu.memory_space<vmem>>) target_semaphore(%run_scoped3A : memref<!tpu.dma_semaphore, #tpu.memory_space<semaphore_mem>>)
      %dma_wait3A_345 = tpu.memref_slice %arg2[%mul3A_2] : memref<32768xi32, #tpu.memory_space<hbm>> -> memref<1024xi32, #tpu.memory_space<hbm>>
      %dma_wait3A_346 = tpu.memref_slice %arg2[%mul3A_2] : memref<32768xi32, #tpu.memory_space<hbm>> -> memref<1024xi32, #tpu.memory_space<hbm>>
      tpu.wait_dma2 semaphore(%run_scoped3A : memref<!tpu.dma_semaphore, #tpu.memory_space<semaphore_mem>>) src(%dma_wait3A_346 : memref<1024xi32, #tpu.memory_space<hbm>>) dst(%arg7 : memref<1024xi32, #tpu.memory_space<vmem>>)
      tpu.yield
    }) : () -> ()
    %broadcast_in_dim3A = arith.constant 99999 : i32
    %broadcast_in_dim3A_3 = vector.broadcast %broadcast_in_dim3A : i32 to vector<16xi32>
    %broadcast_in_dim3A_4 = arith.constant 100000 : i32
    %broadcast_in_dim3A_5 = vector.broadcast %broadcast_in_dim3A_4 : i32 to vector<16xi32>
    %broadcast_in_dim3A_6 = arith.constant 0 : i32
    %broadcast_in_dim3A_7 = vector.broadcast %broadcast_in_dim3A_6 : i32 to vector<16xi32>
    %iota3A = tpu.iota {dimensions = array<i32: 0>} : vector<16xi32>
    %broadcast_in_dim3A_8 = arith.constant 1 : i32
    %broadcast_in_dim3A_9 = vector.broadcast %broadcast_in_dim3A_8 : i32 to vector<16xi32>
    %scan3A = arith.constant 0 : i32
    %scan3A_10 = arith.constant 8 : i32
    %scan3A_11 = arith.addi %scan3A, %scan3A_10 : i32
    %scan3A_12 = arith.constant 1 : i32
    %scan3A_13 = scf.for %scan3A_343 = %scan3A to %scan3A_11 step %scan3A_12 iter_args(%scan3A_344 = %broadcast_in_dim3A_7) -> (vector<16xi32>)  : i32 {
      %mul3A_345 = arith.constant 16 : i32
      %mul3A_346 = arith.muli %scan3A_343, %mul3A_345 : i32
      %add3A_347 = arith.constant 0 : i32
      %add3A_348 = arith.addi %add3A_347, %mul3A_346 : i32
      %get3A_349 = arith.index_cast %add3A_348 : i32 to index
      %get3A_350 = tpu.vector_load %arg7[%get3A_349] {strides = array<i32>} : memref<1024xi32, #tpu.memory_space<vmem>>, vector<16xi32>,
      %min3A = arith.minsi %get3A_350, %broadcast_in_dim3A_3 : vector<16xi32>
      %swap3A_351 = arith.index_cast %add3A_348 : i32 to index
      %swap3A_352 = tpu.vector_load %arg8[%swap3A_351] {strides = array<i32>} : memref<1024xi32, #tpu.memory_space<vmem>>, vector<16xi32>,
      tpu.vector_store %arg8[%swap3A_351], %min3A {strides = array<i32>} : memref<1024xi32, #tpu.memory_space<vmem>>, vector<16xi32>,
      %ge3A = arith.cmpi sge, %get3A_350, %broadcast_in_dim3A_5 : vector<16xi32>
      %select_n3A = arith.select %ge3A, %broadcast_in_dim3A_9, %broadcast_in_dim3A_7 : vector<16xi1>, vector<16xi32>
      %add3A_353 = arith.addi %scan3A_344, %select_n3A : vector<16xi32>
      scf.yield %add3A_353 : vector<16xi32>
    }
    %scan3A_14 = arith.constant 8 : i32
    %gt3A = arith.constant 0 : i32
    %gt3A_15 = vector.broadcast %gt3A : i32 to vector<16xi32>
    %gt3A_16 = arith.cmpi sgt, %scan3A_13, %gt3A_15 : vector<16xi32>
    %all_reduce_population_count3A = tpu.all_reduce %gt3A_16 {dim = 0 : i64, kind = #tpu.reduction_kind<sum>} : vector<16xi1> -> vector<16xi32>
    %slice3A = vector.extract_strided_slice %all_reduce_population_count3A {offsets = [0], sizes = [1], strides = [1]} : vector<16xi32> to vector<1xi32>
    %squeeze3A = vector.extract %slice3A[0] : i32 from vector<1xi32>
    %swap3A = arith.constant 0 : i32
    %swap3A_17 = arith.index_cast %swap3A : i32 to index
    %swap3A_18 = memref.load %arg9[%swap3A_17] : memref<8xi32, #tpu.memory_space<smem>>
    memref.store %squeeze3A, %arg9[%swap3A_17] : memref<8xi32, #tpu.memory_space<smem>>
    %dma_start3A = arith.constant 0 : i32
    %dma_start3A_19 = tpu.memref_slice %arg8[%dma_start3A] : memref<1024xi32, #tpu.memory_space<vmem>> -> memref<128xi32, #tpu.memory_space<vmem>>
    %dma_start3A_20 = arith.constant 0 : i32
    %dma_start3A_21 = arith.constant 0 : i32
    %dma_start3A_22 = tpu.memref_slice %arg3[%dma_start3A_20, %dma_start3A_21] : memref<100000x128xf32, #tpu.memory_space<hbm>> -> memref<100000x128xf32, #tpu.memory_space<hbm>>
    tpu.enqueue_indirect_dma source(%dma_start3A_22 : memref<100000x128xf32, #tpu.memory_space<hbm>>) target(%arg10 : memref<128x128xf32, #tpu.memory_space<vmem>>) offsets(%dma_start3A_19 : memref<128xi32, #tpu.memory_space<vmem>>) semaphore(%arg16 : memref<!tpu.dma_semaphore, #tpu.memory_space<semaphore_mem>>)
    %scan3A_23 = arith.constant 0 : i32
    %scan3A_24 = arith.constant 8 : i32
    %scan3A_25 = arith.addi %scan3A_23, %scan3A_24 : i32
    %scan3A_26 = arith.constant 1 : i32
    %scan3A_27 = scf.for %scan3A_343 = %scan3A_23 to %scan3A_25 step %scan3A_26 iter_args(%scan3A_344 = %broadcast_in_dim3A_7) -> (vector<16xi32>)  : i32 {
      %mul3A_345 = arith.constant 16 : i32
      %mul3A_346 = arith.muli %scan3A_343, %mul3A_345 : i32
      %add3A_347 = arith.constant 128 : i32
      %add3A_348 = arith.addi %add3A_347, %mul3A_346 : i32
      %get3A_349 = arith.index_cast %add3A_348 : i32 to index
      %get3A_350 = tpu.vector_load %arg7[%get3A_349] {strides = array<i32>} : memref<1024xi32, #tpu.memory_space<vmem>>, vector<16xi32>,
      %min3A = arith.minsi %get3A_350, %broadcast_in_dim3A_3 : vector<16xi32>
      %swap3A_351 = arith.index_cast %add3A_348 : i32 to index
      %swap3A_352 = tpu.vector_load %arg8[%swap3A_351] {strides = array<i32>} : memref<1024xi32, #tpu.memory_space<vmem>>, vector<16xi32>,
      tpu.vector_store %arg8[%swap3A_351], %min3A {strides = array<i32>} : memref<1024xi32, #tpu.memory_space<vmem>>, vector<16xi32>,
      %ge3A = arith.cmpi sge, %get3A_350, %broadcast_in_dim3A_5 : vector<16xi32>
      %select_n3A = arith.select %ge3A, %broadcast_in_dim3A_9, %broadcast_in_dim3A_7 : vector<16xi1>, vector<16xi32>
      %add3A_353 = arith.addi %scan3A_344, %select_n3A : vector<16xi32>
      scf.yield %add3A_353 : vector<16xi32>
    }
    %scan3A_28 = arith.constant 8 : i32
    %gt3A_29 = arith.constant 0 : i32
    %gt3A_30 = vector.broadcast %gt3A_29 : i32 to vector<16xi32>
    %gt3A_31 = arith.cmpi sgt, %scan3A_27, %gt3A_30 : vector<16xi32>
    %all_reduce_population_count3A_32 = tpu.all_reduce %gt3A_31 {dim = 0 : i64, kind = #tpu.reduction_kind<sum>} : vector<16xi1> -> vector<16xi32>
    %slice3A_33 = vector.extract_strided_slice %all_reduce_population_count3A_32 {offsets = [0], sizes = [1], strides = [1]} : vector<16xi32> to vector<1xi32>
    %squeeze3A_34 = vector.extract %slice3A_33[0] : i32 from vector<1xi32>
    %swap3A_35 = arith.constant 1 : i32
    %swap3A_36 = arith.index_cast %swap3A_35 : i32 to index
    %swap3A_37 = memref.load %arg9[%swap3A_36] : memref<8xi32, #tpu.memory_space<smem>>
    memref.store %squeeze3A_34, %arg9[%swap3A_36] : memref<8xi32, #tpu.memory_space<smem>>
    %dma_start3A_38 = arith.constant 128 : i32
    %dma_start3A_39 = tpu.memref_slice %arg8[%dma_start3A_38] : memref<1024xi32, #tpu.memory_space<vmem>> -> memref<128xi32, #tpu.memory_space<vmem>>
    %dma_start3A_40 = arith.constant 0 : i32
    %dma_start3A_41 = arith.constant 0 : i32
    %dma_start3A_42 = tpu.memref_slice %arg3[%dma_start3A_40, %dma_start3A_41] : memref<100000x128xf32, #tpu.memory_space<hbm>> -> memref<100000x128xf32, #tpu.memory_space<hbm>>
    tpu.enqueue_indirect_dma source(%dma_start3A_42 : memref<100000x128xf32, #tpu.memory_space<hbm>>) target(%arg11 : memref<128x128xf32, #tpu.memory_space<vmem>>) offsets(%dma_start3A_39 : memref<128xi32, #tpu.memory_space<vmem>>) semaphore(%arg16 : memref<!tpu.dma_semaphore, #tpu.memory_space<semaphore_mem>>)
    %scan3A_43 = arith.constant 0 : i32
    %scan3A_44 = arith.constant 8 : i32
    %scan3A_45 = arith.addi %scan3A_43, %scan3A_44 : i32
    %scan3A_46 = arith.constant 1 : i32
    %scan3A_47 = scf.for %scan3A_343 = %scan3A_43 to %scan3A_45 step %scan3A_46 iter_args(%scan3A_344 = %broadcast_in_dim3A_7) -> (vector<16xi32>)  : i32 {
      %mul3A_345 = arith.constant 16 : i32
      %mul3A_346 = arith.muli %scan3A_343, %mul3A_345 : i32
      %add3A_347 = arith.constant 256 : i32
      %add3A_348 = arith.addi %add3A_347, %mul3A_346 : i32
      %get3A_349 = arith.index_cast %add3A_348 : i32 to index
      %get3A_350 = tpu.vector_load %arg7[%get3A_349] {strides = array<i32>} : memref<1024xi32, #tpu.memory_space<vmem>>, vector<16xi32>,
      %min3A = arith.minsi %get3A_350, %broadcast_in_dim3A_3 : vector<16xi32>
      %swap3A_351 = arith.index_cast %add3A_348 : i32 to index
      %swap3A_352 = tpu.vector_load %arg8[%swap3A_351] {strides = array<i32>} : memref<1024xi32, #tpu.memory_space<vmem>>, vector<16xi32>,
      tpu.vector_store %arg8[%swap3A_351], %min3A {strides = array<i32>} : memref<1024xi32, #tpu.memory_space<vmem>>, vector<16xi32>,
      %ge3A = arith.cmpi sge, %get3A_350, %broadcast_in_dim3A_5 : vector<16xi32>
      %select_n3A = arith.select %ge3A, %broadcast_in_dim3A_9, %broadcast_in_dim3A_7 : vector<16xi1>, vector<16xi32>
      %add3A_353 = arith.addi %scan3A_344, %select_n3A : vector<16xi32>
      scf.yield %add3A_353 : vector<16xi32>
    }
    %scan3A_48 = arith.constant 8 : i32
    %gt3A_49 = arith.constant 0 : i32
    %gt3A_50 = vector.broadcast %gt3A_49 : i32 to vector<16xi32>
    %gt3A_51 = arith.cmpi sgt, %scan3A_47, %gt3A_50 : vector<16xi32>
    %all_reduce_population_count3A_52 = tpu.all_reduce %gt3A_51 {dim = 0 : i64, kind = #tpu.reduction_kind<sum>} : vector<16xi1> -> vector<16xi32>
    %slice3A_53 = vector.extract_strided_slice %all_reduce_population_count3A_52 {offsets = [0], sizes = [1], strides = [1]} : vector<16xi32> to vector<1xi32>
    %squeeze3A_54 = vector.extract %slice3A_53[0] : i32 from vector<1xi32>
    %swap3A_55 = arith.constant 2 : i32
    %swap3A_56 = arith.index_cast %swap3A_55 : i32 to index
    %swap3A_57 = memref.load %arg9[%swap3A_56] : memref<8xi32, #tpu.memory_space<smem>>
    memref.store %squeeze3A_54, %arg9[%swap3A_56] : memref<8xi32, #tpu.memory_space<smem>>
    %dma_start3A_58 = arith.constant 256 : i32
    %dma_start3A_59 = tpu.memref_slice %arg8[%dma_start3A_58] : memref<1024xi32, #tpu.memory_space<vmem>> -> memref<128xi32, #tpu.memory_space<vmem>>
    %dma_start3A_60 = arith.constant 0 : i32
    %dma_start3A_61 = arith.constant 0 : i32
    %dma_start3A_62 = tpu.memref_slice %arg3[%dma_start3A_60, %dma_start3A_61] : memref<100000x128xf32, #tpu.memory_space<hbm>> -> memref<100000x128xf32, #tpu.memory_space<hbm>>
    tpu.enqueue_indirect_dma source(%dma_start3A_62 : memref<100000x128xf32, #tpu.memory_space<hbm>>) target(%arg12 : memref<128x128xf32, #tpu.memory_space<vmem>>) offsets(%dma_start3A_59 : memref<128xi32, #tpu.memory_space<vmem>>) semaphore(%arg16 : memref<!tpu.dma_semaphore, #tpu.memory_space<semaphore_mem>>)
    %scan3A_63 = arith.constant 0 : i32
    %scan3A_64 = arith.constant 8 : i32
    %scan3A_65 = arith.addi %scan3A_63, %scan3A_64 : i32
    %scan3A_66 = arith.constant 1 : i32
    %scan3A_67 = scf.for %scan3A_343 = %scan3A_63 to %scan3A_65 step %scan3A_66 iter_args(%scan3A_344 = %broadcast_in_dim3A_7) -> (vector<16xi32>)  : i32 {
      %mul3A_345 = arith.constant 16 : i32
      %mul3A_346 = arith.muli %scan3A_343, %mul3A_345 : i32
      %add3A_347 = arith.constant 384 : i32
      %add3A_348 = arith.addi %add3A_347, %mul3A_346 : i32
      %get3A_349 = arith.index_cast %add3A_348 : i32 to index
      %get3A_350 = tpu.vector_load %arg7[%get3A_349] {strides = array<i32>} : memref<1024xi32, #tpu.memory_space<vmem>>, vector<16xi32>,
      %min3A = arith.minsi %get3A_350, %broadcast_in_dim3A_3 : vector<16xi32>
      %swap3A_351 = arith.index_cast %add3A_348 : i32 to index
      %swap3A_352 = tpu.vector_load %arg8[%swap3A_351] {strides = array<i32>} : memref<1024xi32, #tpu.memory_space<vmem>>, vector<16xi32>,
      tpu.vector_store %arg8[%swap3A_351], %min3A {strides = array<i32>} : memref<1024xi32, #tpu.memory_space<vmem>>, vector<16xi32>,
      %ge3A = arith.cmpi sge, %get3A_350, %broadcast_in_dim3A_5 : vector<16xi32>
      %select_n3A = arith.select %ge3A, %broadcast_in_dim3A_9, %broadcast_in_dim3A_7 : vector<16xi1>, vector<16xi32>
      %add3A_353 = arith.addi %scan3A_344, %select_n3A : vector<16xi32>
      scf.yield %add3A_353 : vector<16xi32>
    }
    %scan3A_68 = arith.constant 8 : i32
    %gt3A_69 = arith.constant 0 : i32
    %gt3A_70 = vector.broadcast %gt3A_69 : i32 to vector<16xi32>
    %gt3A_71 = arith.cmpi sgt, %scan3A_67, %gt3A_70 : vector<16xi32>
    %all_reduce_population_count3A_72 = tpu.all_reduce %gt3A_71 {dim = 0 : i64, kind = #tpu.reduction_kind<sum>} : vector<16xi1> -> vector<16xi32>
    %slice3A_73 = vector.extract_strided_slice %all_reduce_population_count3A_72 {offsets = [0], sizes = [1], strides = [1]} : vector<16xi32> to vector<1xi32>
    %squeeze3A_74 = vector.extract %slice3A_73[0] : i32 from vector<1xi32>
    %swap3A_75 = arith.constant 3 : i32
    %swap3A_76 = arith.index_cast %swap3A_75 : i32 to index
    %swap3A_77 = memref.load %arg9[%swap3A_76] : memref<8xi32, #tpu.memory_space<smem>>
    memref.store %squeeze3A_74, %arg9[%swap3A_76] : memref<8xi32, #tpu.memory_space<smem>>
    %dma_start3A_78 = arith.constant 384 : i32
    %dma_start3A_79 = tpu.memref_slice %arg8[%dma_start3A_78] : memref<1024xi32, #tpu.memory_space<vmem>> -> memref<128xi32, #tpu.memory_space<vmem>>
    %dma_start3A_80 = arith.constant 0 : i32
    %dma_start3A_81 = arith.constant 0 : i32
    %dma_start3A_82 = tpu.memref_slice %arg3[%dma_start3A_80, %dma_start3A_81] : memref<100000x128xf32, #tpu.memory_space<hbm>> -> memref<100000x128xf32, #tpu.memory_space<hbm>>
    tpu.enqueue_indirect_dma source(%dma_start3A_82 : memref<100000x128xf32, #tpu.memory_space<hbm>>) target(%arg13 : memref<128x128xf32, #tpu.memory_space<vmem>>) offsets(%dma_start3A_79 : memref<128xi32, #tpu.memory_space<vmem>>) semaphore(%arg16 : memref<!tpu.dma_semaphore, #tpu.memory_space<semaphore_mem>>)
    %scan3A_83 = arith.constant 0 : i32
    %scan3A_84 = arith.constant 8 : i32
    %scan3A_85 = arith.addi %scan3A_83, %scan3A_84 : i32
    %scan3A_86 = arith.constant 1 : i32
    %scan3A_87 = scf.for %scan3A_343 = %scan3A_83 to %scan3A_85 step %scan3A_86 iter_args(%scan3A_344 = %broadcast_in_dim3A_7) -> (vector<16xi32>)  : i32 {
      %mul3A_345 = arith.constant 16 : i32
      %mul3A_346 = arith.muli %scan3A_343, %mul3A_345 : i32
      %add3A_347 = arith.constant 512 : i32
      %add3A_348 = arith.addi %add3A_347, %mul3A_346 : i32
      %get3A_349 = arith.index_cast %add3A_348 : i32 to index
      %get3A_350 = tpu.vector_load %arg7[%get3A_349] {strides = array<i32>} : memref<1024xi32, #tpu.memory_space<vmem>>, vector<16xi32>,
      %min3A = arith.minsi %get3A_350, %broadcast_in_dim3A_3 : vector<16xi32>
      %swap3A_351 = arith.index_cast %add3A_348 : i32 to index
      %swap3A_352 = tpu.vector_load %arg8[%swap3A_351] {strides = array<i32>} : memref<1024xi32, #tpu.memory_space<vmem>>, vector<16xi32>,
      tpu.vector_store %arg8[%swap3A_351], %min3A {strides = array<i32>} : memref<1024xi32, #tpu.memory_space<vmem>>, vector<16xi32>,
      %ge3A = arith.cmpi sge, %get3A_350, %broadcast_in_dim3A_5 : vector<16xi32>
      %select_n3A = arith.select %ge3A, %broadcast_in_dim3A_9, %broadcast_in_dim3A_7 : vector<16xi1>, vector<16xi32>
      %add3A_353 = arith.addi %scan3A_344, %select_n3A : vector<16xi32>
      scf.yield %add3A_353 : vector<16xi32>
    }
    %scan3A_88 = arith.constant 8 : i32
    %gt3A_89 = arith.constant 0 : i32
    %gt3A_90 = vector.broadcast %gt3A_89 : i32 to vector<16xi32>
    %gt3A_91 = arith.cmpi sgt, %scan3A_87, %gt3A_90 : vector<16xi32>
    %all_reduce_population_count3A_92 = tpu.all_reduce %gt3A_91 {dim = 0 : i64, kind = #tpu.reduction_kind<sum>} : vector<16xi1> -> vector<16xi32>
    %slice3A_93 = vector.extract_strided_slice %all_reduce_population_count3A_92 {offsets = [0], sizes = [1], strides = [1]} : vector<16xi32> to vector<1xi32>
    %squeeze3A_94 = vector.extract %slice3A_93[0] : i32 from vector<1xi32>
    %swap3A_95 = arith.constant 4 : i32
    %swap3A_96 = arith.index_cast %swap3A_95 : i32 to index
    %swap3A_97 = memref.load %arg9[%swap3A_96] : memref<8xi32, #tpu.memory_space<smem>>
    memref.store %squeeze3A_94, %arg9[%swap3A_96] : memref<8xi32, #tpu.memory_space<smem>>
    %scan3A_98 = arith.constant 0 : i32
    %scan3A_99 = arith.constant 8 : i32
    %scan3A_100 = arith.addi %scan3A_98, %scan3A_99 : i32
    %scan3A_101 = arith.constant 1 : i32
    %scan3A_102 = scf.for %scan3A_343 = %scan3A_98 to %scan3A_100 step %scan3A_101 iter_args(%scan3A_344 = %broadcast_in_dim3A_7) -> (vector<16xi32>)  : i32 {
      %mul3A_345 = arith.constant 16 : i32
      %mul3A_346 = arith.muli %scan3A_343, %mul3A_345 : i32
      %add3A_347 = arith.constant 640 : i32
      %add3A_348 = arith.addi %add3A_347, %mul3A_346 : i32
      %get3A_349 = arith.index_cast %add3A_348 : i32 to index
      %get3A_350 = tpu.vector_load %arg7[%get3A_349] {strides = array<i32>} : memref<1024xi32, #tpu.memory_space<vmem>>, vector<16xi32>,
      %min3A = arith.minsi %get3A_350, %broadcast_in_dim3A_3 : vector<16xi32>
      %swap3A_351 = arith.index_cast %add3A_348 : i32 to index
      %swap3A_352 = tpu.vector_load %arg8[%swap3A_351] {strides = array<i32>} : memref<1024xi32, #tpu.memory_space<vmem>>, vector<16xi32>,
      tpu.vector_store %arg8[%swap3A_351], %min3A {strides = array<i32>} : memref<1024xi32, #tpu.memory_space<vmem>>, vector<16xi32>,
      %ge3A = arith.cmpi sge, %get3A_350, %broadcast_in_dim3A_5 : vector<16xi32>
      %select_n3A = arith.select %ge3A, %broadcast_in_dim3A_9, %broadcast_in_dim3A_7 : vector<16xi1>, vector<16xi32>
      %add3A_353 = arith.addi %scan3A_344, %select_n3A : vector<16xi32>
      scf.yield %add3A_353 : vector<16xi32>
    }
    %scan3A_103 = arith.constant 8 : i32
    %gt3A_104 = arith.constant 0 : i32
    %gt3A_105 = vector.broadcast %gt3A_104 : i32 to vector<16xi32>
    %gt3A_106 = arith.cmpi sgt, %scan3A_102, %gt3A_105 : vector<16xi32>
    %all_reduce_population_count3A_107 = tpu.all_reduce %gt3A_106 {dim = 0 : i64, kind = #tpu.reduction_kind<sum>} : vector<16xi1> -> vector<16xi32>
    %slice3A_108 = vector.extract_strided_slice %all_reduce_population_count3A_107 {offsets = [0], sizes = [1], strides = [1]} : vector<16xi32> to vector<1xi32>
    %squeeze3A_109 = vector.extract %slice3A_108[0] : i32 from vector<1xi32>
    %swap3A_110 = arith.constant 5 : i32
    %swap3A_111 = arith.index_cast %swap3A_110 : i32 to index
    %swap3A_112 = memref.load %arg9[%swap3A_111] : memref<8xi32, #tpu.memory_space<smem>>
    memref.store %squeeze3A_109, %arg9[%swap3A_111] : memref<8xi32, #tpu.memory_space<smem>>
    %scan3A_113 = arith.constant 0 : i32
    %scan3A_114 = arith.constant 8 : i32
    %scan3A_115 = arith.addi %scan3A_113, %scan3A_114 : i32
    %scan3A_116 = arith.constant 1 : i32
    %scan3A_117 = scf.for %scan3A_343 = %scan3A_113 to %scan3A_115 step %scan3A_116 iter_args(%scan3A_344 = %broadcast_in_dim3A_7) -> (vector<16xi32>)  : i32 {
      %mul3A_345 = arith.constant 16 : i32
      %mul3A_346 = arith.muli %scan3A_343, %mul3A_345 : i32
      %add3A_347 = arith.constant 768 : i32
      %add3A_348 = arith.addi %add3A_347, %mul3A_346 : i32
      %get3A_349 = arith.index_cast %add3A_348 : i32 to index
      %get3A_350 = tpu.vector_load %arg7[%get3A_349] {strides = array<i32>} : memref<1024xi32, #tpu.memory_space<vmem>>, vector<16xi32>,
      %min3A = arith.minsi %get3A_350, %broadcast_in_dim3A_3 : vector<16xi32>
      %swap3A_351 = arith.index_cast %add3A_348 : i32 to index
      %swap3A_352 = tpu.vector_load %arg8[%swap3A_351] {strides = array<i32>} : memref<1024xi32, #tpu.memory_space<vmem>>, vector<16xi32>,
      tpu.vector_store %arg8[%swap3A_351], %min3A {strides = array<i32>} : memref<1024xi32, #tpu.memory_space<vmem>>, vector<16xi32>,
      %ge3A = arith.cmpi sge, %get3A_350, %broadcast_in_dim3A_5 : vector<16xi32>
      %select_n3A = arith.select %ge3A, %broadcast_in_dim3A_9, %broadcast_in_dim3A_7 : vector<16xi1>, vector<16xi32>
      %add3A_353 = arith.addi %scan3A_344, %select_n3A : vector<16xi32>
      scf.yield %add3A_353 : vector<16xi32>
    }
    %scan3A_118 = arith.constant 8 : i32
    %gt3A_119 = arith.constant 0 : i32
    %gt3A_120 = vector.broadcast %gt3A_119 : i32 to vector<16xi32>
    %gt3A_121 = arith.cmpi sgt, %scan3A_117, %gt3A_120 : vector<16xi32>
    %all_reduce_population_count3A_122 = tpu.all_reduce %gt3A_121 {dim = 0 : i64, kind = #tpu.reduction_kind<sum>} : vector<16xi1> -> vector<16xi32>
    %slice3A_123 = vector.extract_strided_slice %all_reduce_population_count3A_122 {offsets = [0], sizes = [1], strides = [1]} : vector<16xi32> to vector<1xi32>
    %squeeze3A_124 = vector.extract %slice3A_123[0] : i32 from vector<1xi32>
    %swap3A_125 = arith.constant 6 : i32
    %swap3A_126 = arith.index_cast %swap3A_125 : i32 to index
    %swap3A_127 = memref.load %arg9[%swap3A_126] : memref<8xi32, #tpu.memory_space<smem>>
    memref.store %squeeze3A_124, %arg9[%swap3A_126] : memref<8xi32, #tpu.memory_space<smem>>
    %scan3A_128 = arith.constant 0 : i32
    %scan3A_129 = arith.constant 8 : i32
    %scan3A_130 = arith.addi %scan3A_128, %scan3A_129 : i32
    %scan3A_131 = arith.constant 1 : i32
    %scan3A_132 = scf.for %scan3A_343 = %scan3A_128 to %scan3A_130 step %scan3A_131 iter_args(%scan3A_344 = %broadcast_in_dim3A_7) -> (vector<16xi32>)  : i32 {
      %mul3A_345 = arith.constant 16 : i32
      %mul3A_346 = arith.muli %scan3A_343, %mul3A_345 : i32
      %add3A_347 = arith.constant 896 : i32
      %add3A_348 = arith.addi %add3A_347, %mul3A_346 : i32
      %get3A_349 = arith.index_cast %add3A_348 : i32 to index
      %get3A_350 = tpu.vector_load %arg7[%get3A_349] {strides = array<i32>} : memref<1024xi32, #tpu.memory_space<vmem>>, vector<16xi32>,
      %min3A = arith.minsi %get3A_350, %broadcast_in_dim3A_3 : vector<16xi32>
      %swap3A_351 = arith.index_cast %add3A_348 : i32 to index
      %swap3A_352 = tpu.vector_load %arg8[%swap3A_351] {strides = array<i32>} : memref<1024xi32, #tpu.memory_space<vmem>>, vector<16xi32>,
      tpu.vector_store %arg8[%swap3A_351], %min3A {strides = array<i32>} : memref<1024xi32, #tpu.memory_space<vmem>>, vector<16xi32>,
      %ge3A = arith.cmpi sge, %get3A_350, %broadcast_in_dim3A_5 : vector<16xi32>
      %select_n3A = arith.select %ge3A, %broadcast_in_dim3A_9, %broadcast_in_dim3A_7 : vector<16xi1>, vector<16xi32>
      %add3A_353 = arith.addi %scan3A_344, %select_n3A : vector<16xi32>
      scf.yield %add3A_353 : vector<16xi32>
    }
    %scan3A_133 = arith.constant 8 : i32
    %gt3A_134 = arith.constant 0 : i32
    %gt3A_135 = vector.broadcast %gt3A_134 : i32 to vector<16xi32>
    %gt3A_136 = arith.cmpi sgt, %scan3A_132, %gt3A_135 : vector<16xi32>
    %all_reduce_population_count3A_137 = tpu.all_reduce %gt3A_136 {dim = 0 : i64, kind = #tpu.reduction_kind<sum>} : vector<16xi1> -> vector<16xi32>
    %slice3A_138 = vector.extract_strided_slice %all_reduce_population_count3A_137 {offsets = [0], sizes = [1], strides = [1]} : vector<16xi32> to vector<1xi32>
    %squeeze3A_139 = vector.extract %slice3A_138[0] : i32 from vector<1xi32>
    %swap3A_140 = arith.constant 7 : i32
    %swap3A_141 = arith.index_cast %swap3A_140 : i32 to index
    %swap3A_142 = memref.load %arg9[%swap3A_141] : memref<8xi32, #tpu.memory_space<smem>>
    memref.store %squeeze3A_139, %arg9[%swap3A_141] : memref<8xi32, #tpu.memory_space<smem>>
    tpu.wait_dma2 semaphore(%arg18 : memref<!tpu.dma_semaphore, #tpu.memory_space<semaphore_mem>>) src(%arg4 : memref<128x128xf32, #tpu.memory_space<hbm>>) dst(%arg6 : memref<128x128xf32, #tpu.memory_space<vmem>>)
    %dma_wait3A = arith.constant 0 : i32
    %dma_wait3A_143 = tpu.memref_slice %arg8[%dma_wait3A] : memref<1024xi32, #tpu.memory_space<vmem>> -> memref<128xi32, #tpu.memory_space<vmem>>
    %dma_wait3A_144 = arith.constant 0 : i32
    %dma_wait3A_145 = arith.constant 0 : i32
    %dma_wait3A_146 = tpu.memref_slice %arg3[%dma_wait3A_144, %dma_wait3A_145] : memref<100000x128xf32, #tpu.memory_space<hbm>> -> memref<100000x128xf32, #tpu.memory_space<hbm>>
    tpu.wait_indirect_dma semaphore(%arg16 : memref<!tpu.dma_semaphore, #tpu.memory_space<semaphore_mem>>) src(%dma_wait3A_146 : memref<100000x128xf32, #tpu.memory_space<hbm>>) dst(%arg10 : memref<128x128xf32, #tpu.memory_space<vmem>>)
    %get3A = arith.constant 0 : i32
    %get3A_147 = arith.index_cast %get3A : i32 to index
    %get3A_148 = memref.load %arg9[%get3A_147] : memref<8xi32, #tpu.memory_space<smem>>
    %gt3A_149 = arith.constant 0 : i32
    %gt3A_150 = arith.cmpi sgt, %get3A_148, %gt3A_149 : i32
    %convert_element_type3A = arith.extui %gt3A_150 : i1 to i32
    %cond3A = arith.constant 0 : i32
    %cond3A_151 = arith.cmpi ne, %convert_element_type3A, %cond3A : i32
    scf.if %cond3A_151 {
      %scan3A_343 = arith.constant 0 : i32
      %scan3A_344 = arith.constant 0 : i32
      %scan3A_345 = arith.constant 8 : i32
      %scan3A_346 = arith.addi %scan3A_344, %scan3A_345 : i32
      %scan3A_347 = arith.constant 1 : i32
      scf.for %scan3A_349 = %scan3A_344 to %scan3A_346 step %scan3A_347  : i32 {
        %mul3A_350 = arith.constant 16 : i32
        %mul3A_351 = arith.muli %scan3A_349, %mul3A_350 : i32
        %add3A_352 = arith.constant 0 : i32
        %add3A_353 = arith.addi %add3A_352, %mul3A_351 : i32
        %get3A_354 = arith.index_cast %add3A_353 : i32 to index
        %get3A_355 = tpu.vector_load %arg7[%get3A_354] {strides = array<i32>} : memref<1024xi32, #tpu.memory_space<vmem>>, vector<16xi32>,
        %ge3A = arith.cmpi sge, %get3A_355, %broadcast_in_dim3A_5 : vector<16xi32>
        %all_reduce_population_count3A_356 = tpu.all_reduce %ge3A {dim = 0 : i64, kind = #tpu.reduction_kind<sum>} : vector<16xi1> -> vector<16xi32>
        %slice3A_357 = vector.extract_strided_slice %all_reduce_population_count3A_356 {offsets = [0], sizes = [1], strides = [1]} : vector<16xi32> to vector<1xi32>
        %squeeze3A_358 = vector.extract %slice3A_357[0] : i32 from vector<1xi32>
        %gt3A_359 = arith.constant 0 : i32
        %gt3A_360 = arith.cmpi sgt, %squeeze3A_358, %gt3A_359 : i32
        %convert_element_type3A_361 = arith.extui %gt3A_360 : i1 to i32
        %cond3A_362 = arith.constant 0 : i32
        %cond3A_363 = arith.cmpi ne, %convert_element_type3A_361, %cond3A_362 : i32
        scf.if %cond3A_363 {
          %sub3A = arith.subi %get3A_355, %broadcast_in_dim3A_5 : vector<16xi32>
          %max3A = arith.maxsi %sub3A, %broadcast_in_dim3A_7 : vector<16xi32>
          %broadcast_in_dim3A_364 = arith.constant 127 : i32
          %broadcast_in_dim3A_365 = vector.broadcast %broadcast_in_dim3A_364 : i32 to vector<16xi32>
          %min3A = arith.minsi %max3A, %broadcast_in_dim3A_365 : vector<16xi32>
          %mul3A_366 = arith.constant 16 : i32
          %mul3A_367 = arith.muli %scan3A_349, %mul3A_366 : i32
          %broadcast_in_dim3A_368 = vector.broadcast %mul3A_367 : i32 to vector<16xi32>
          %add3A_369 = arith.addi %broadcast_in_dim3A_368, %iota3A : vector<16xi32>
          %scan3A_370 = arith.constant 0 : i32
          %scan3A_371 = arith.constant 0 : i32
          %scan3A_372 = arith.constant 128 : i32
          %scan3A_373 = arith.addi %scan3A_371, %scan3A_372 : i32
          %scan3A_374 = arith.constant 1 : i32
          scf.for %scan3A_376 = %scan3A_371 to %scan3A_373 step %scan3A_374  : i32 {
            %broadcast_in_dim3A_377 = vector.broadcast %scan3A_376 : i32 to vector<16xi32>
            %gather3A = tpu.vector_load_idx %arg6[%min3A, %broadcast_in_dim3A_377] masked %ge3A : memref<128x128xf32, #tpu.memory_space<vmem>>[vector<16xi32>, vector<16xi32>], vector<16xf32>, vector<16xi1>
            tpu.vector_store_idx %arg10[%add3A_369, %broadcast_in_dim3A_377], %gather3A masked %ge3A : memref<128x128xf32, #tpu.memory_space<vmem>>[vector<16xi32>, vector<16xi32>], vector<16xf32>, vector<16xi1>
          }
          %scan3A_375 = arith.constant 128 : i32
        } else {
        }
      }
      %scan3A_348 = arith.constant 8 : i32
    } else {
    }
    %add3A_152 = arith.constant 0 : i32
    %add3A_153 = arith.addi %mul3A_2, %add3A_152 : i32
    %dma_start3A_154 = arith.constant 0 : i32
    %dma_start3A_155 = tpu.memref_slice %arg5[%add3A_153, %dma_start3A_154] : memref<32768x128xf32, #tpu.memory_space<hbm>> -> memref<128x128xf32, #tpu.memory_space<hbm>>
    %dma_start3A_156 = arith.constant 0 : i32
    %dma_start3A_157 = tpu.memref_slice %arg5[%add3A_153, %dma_start3A_156] : memref<32768x128xf32, #tpu.memory_space<hbm>> -> memref<128x128xf32, #tpu.memory_space<hbm>>
    tpu.enqueue_dma source(%arg10 : memref<128x128xf32, #tpu.memory_space<vmem>>) target(%dma_start3A_157 : memref<128x128xf32, #tpu.memory_space<hbm>>) target_semaphore(%arg17 : memref<!tpu.dma_semaphore, #tpu.memory_space<semaphore_mem>>)
    %dma_start3A_158 = arith.constant 512 : i32
    %dma_start3A_159 = tpu.memref_slice %arg8[%dma_start3A_158] : memref<1024xi32, #tpu.memory_space<vmem>> -> memref<128xi32, #tpu.memory_space<vmem>>
    %dma_start3A_160 = arith.constant 0 : i32
    %dma_start3A_161 = arith.constant 0 : i32
    %dma_start3A_162 = tpu.memref_slice %arg3[%dma_start3A_160, %dma_start3A_161] : memref<100000x128xf32, #tpu.memory_space<hbm>> -> memref<100000x128xf32, #tpu.memory_space<hbm>>
    tpu.enqueue_indirect_dma source(%dma_start3A_162 : memref<100000x128xf32, #tpu.memory_space<hbm>>) target(%arg14 : memref<128x128xf32, #tpu.memory_space<vmem>>) offsets(%dma_start3A_159 : memref<128xi32, #tpu.memory_space<vmem>>) semaphore(%arg16 : memref<!tpu.dma_semaphore, #tpu.memory_space<semaphore_mem>>)
    %dma_wait3A_163 = arith.constant 128 : i32
    %dma_wait3A_164 = tpu.memref_slice %arg8[%dma_wait3A_163] : memref<1024xi32, #tpu.memory_space<vmem>> -> memref<128xi32, #tpu.memory_space<vmem>>
    %dma_wait3A_165 = arith.constant 0 : i32
    %dma_wait3A_166 = arith.constant 0 : i32
    %dma_wait3A_167 = tpu.memref_slice %arg3[%dma_wait3A_165, %dma_wait3A_166] : memref<100000x128xf32, #tpu.memory_space<hbm>> -> memref<100000x128xf32, #tpu.memory_space<hbm>>
    tpu.wait_indirect_dma semaphore(%arg16 : memref<!tpu.dma_semaphore, #tpu.memory_space<semaphore_mem>>) src(%dma_wait3A_167 : memref<100000x128xf32, #tpu.memory_space<hbm>>) dst(%arg11 : memref<128x128xf32, #tpu.memory_space<vmem>>)
    %get3A_168 = arith.constant 1 : i32
    %get3A_169 = arith.index_cast %get3A_168 : i32 to index
    %get3A_170 = memref.load %arg9[%get3A_169] : memref<8xi32, #tpu.memory_space<smem>>
    %gt3A_171 = arith.constant 0 : i32
    %gt3A_172 = arith.cmpi sgt, %get3A_170, %gt3A_171 : i32
    %convert_element_type3A_173 = arith.extui %gt3A_172 : i1 to i32
    %cond3A_174 = arith.constant 0 : i32
    %cond3A_175 = arith.cmpi ne, %convert_element_type3A_173, %cond3A_174 : i32
    scf.if %cond3A_175 {
      %scan3A_343 = arith.constant 0 : i32
      %scan3A_344 = arith.constant 0 : i32
      %scan3A_345 = arith.constant 8 : i32
      %scan3A_346 = arith.addi %scan3A_344, %scan3A_345 : i32
      %scan3A_347 = arith.constant 1 : i32
      scf.for %scan3A_349 = %scan3A_344 to %scan3A_346 step %scan3A_347  : i32 {
        %mul3A_350 = arith.constant 16 : i32
        %mul3A_351 = arith.muli %scan3A_349, %mul3A_350 : i32
        %add3A_352 = arith.constant 128 : i32
        %add3A_353 = arith.addi %add3A_352, %mul3A_351 : i32
        %get3A_354 = arith.index_cast %add3A_353 : i32 to index
        %get3A_355 = tpu.vector_load %arg7[%get3A_354] {strides = array<i32>} : memref<1024xi32, #tpu.memory_space<vmem>>, vector<16xi32>,
        %ge3A = arith.cmpi sge, %get3A_355, %broadcast_in_dim3A_5 : vector<16xi32>
        %all_reduce_population_count3A_356 = tpu.all_reduce %ge3A {dim = 0 : i64, kind = #tpu.reduction_kind<sum>} : vector<16xi1> -> vector<16xi32>
        %slice3A_357 = vector.extract_strided_slice %all_reduce_population_count3A_356 {offsets = [0], sizes = [1], strides = [1]} : vector<16xi32> to vector<1xi32>
        %squeeze3A_358 = vector.extract %slice3A_357[0] : i32 from vector<1xi32>
        %gt3A_359 = arith.constant 0 : i32
        %gt3A_360 = arith.cmpi sgt, %squeeze3A_358, %gt3A_359 : i32
        %convert_element_type3A_361 = arith.extui %gt3A_360 : i1 to i32
        %cond3A_362 = arith.constant 0 : i32
        %cond3A_363 = arith.cmpi ne, %convert_element_type3A_361, %cond3A_362 : i32
        scf.if %cond3A_363 {
          %sub3A = arith.subi %get3A_355, %broadcast_in_dim3A_5 : vector<16xi32>
          %max3A = arith.maxsi %sub3A, %broadcast_in_dim3A_7 : vector<16xi32>
          %broadcast_in_dim3A_364 = arith.constant 127 : i32
          %broadcast_in_dim3A_365 = vector.broadcast %broadcast_in_dim3A_364 : i32 to vector<16xi32>
          %min3A = arith.minsi %max3A, %broadcast_in_dim3A_365 : vector<16xi32>
          %mul3A_366 = arith.constant 16 : i32
          %mul3A_367 = arith.muli %scan3A_349, %mul3A_366 : i32
          %broadcast_in_dim3A_368 = vector.broadcast %mul3A_367 : i32 to vector<16xi32>
          %add3A_369 = arith.addi %broadcast_in_dim3A_368, %iota3A : vector<16xi32>
          %scan3A_370 = arith.constant 0 : i32
          %scan3A_371 = arith.constant 0 : i32
          %scan3A_372 = arith.constant 128 : i32
          %scan3A_373 = arith.addi %scan3A_371, %scan3A_372 : i32
          %scan3A_374 = arith.constant 1 : i32
          scf.for %scan3A_376 = %scan3A_371 to %scan3A_373 step %scan3A_374  : i32 {
            %broadcast_in_dim3A_377 = vector.broadcast %scan3A_376 : i32 to vector<16xi32>
            %gather3A = tpu.vector_load_idx %arg6[%min3A, %broadcast_in_dim3A_377] masked %ge3A : memref<128x128xf32, #tpu.memory_space<vmem>>[vector<16xi32>, vector<16xi32>], vector<16xf32>, vector<16xi1>
            tpu.vector_store_idx %arg11[%add3A_369, %broadcast_in_dim3A_377], %gather3A masked %ge3A : memref<128x128xf32, #tpu.memory_space<vmem>>[vector<16xi32>, vector<16xi32>], vector<16xf32>, vector<16xi1>
          }
          %scan3A_375 = arith.constant 128 : i32
        } else {
        }
      }
      %scan3A_348 = arith.constant 8 : i32
    } else {
    }
    %add3A_176 = arith.constant 128 : i32
    %add3A_177 = arith.addi %mul3A_2, %add3A_176 : i32
    %dma_start3A_178 = arith.constant 0 : i32
    %dma_start3A_179 = tpu.memref_slice %arg5[%add3A_177, %dma_start3A_178] : memref<32768x128xf32, #tpu.memory_space<hbm>> -> memref<128x128xf32, #tpu.memory_space<hbm>>
    %dma_start3A_180 = arith.constant 0 : i32
    %dma_start3A_181 = tpu.memref_slice %arg5[%add3A_177, %dma_start3A_180] : memref<32768x128xf32, #tpu.memory_space<hbm>> -> memref<128x128xf32, #tpu.memory_space<hbm>>
    tpu.enqueue_dma source(%arg11 : memref<128x128xf32, #tpu.memory_space<vmem>>) target(%dma_start3A_181 : memref<128x128xf32, #tpu.memory_space<hbm>>) target_semaphore(%arg17 : memref<!tpu.dma_semaphore, #tpu.memory_space<semaphore_mem>>)
    %dma_start3A_182 = arith.constant 640 : i32
    %dma_start3A_183 = tpu.memref_slice %arg8[%dma_start3A_182] : memref<1024xi32, #tpu.memory_space<vmem>> -> memref<128xi32, #tpu.memory_space<vmem>>
    %dma_start3A_184 = arith.constant 0 : i32
    %dma_start3A_185 = arith.constant 0 : i32
    %dma_start3A_186 = tpu.memref_slice %arg3[%dma_start3A_184, %dma_start3A_185] : memref<100000x128xf32, #tpu.memory_space<hbm>> -> memref<100000x128xf32, #tpu.memory_space<hbm>>
    tpu.enqueue_indirect_dma source(%dma_start3A_186 : memref<100000x128xf32, #tpu.memory_space<hbm>>) target(%arg15 : memref<128x128xf32, #tpu.memory_space<vmem>>) offsets(%dma_start3A_183 : memref<128xi32, #tpu.memory_space<vmem>>) semaphore(%arg16 : memref<!tpu.dma_semaphore, #tpu.memory_space<semaphore_mem>>)
    %dma_wait3A_187 = arith.constant 256 : i32
    %dma_wait3A_188 = tpu.memref_slice %arg8[%dma_wait3A_187] : memref<1024xi32, #tpu.memory_space<vmem>> -> memref<128xi32, #tpu.memory_space<vmem>>
    %dma_wait3A_189 = arith.constant 0 : i32
    %dma_wait3A_190 = arith.constant 0 : i32
    %dma_wait3A_191 = tpu.memref_slice %arg3[%dma_wait3A_189, %dma_wait3A_190] : memref<100000x128xf32, #tpu.memory_space<hbm>> -> memref<100000x128xf32, #tpu.memory_space<hbm>>
    tpu.wait_indirect_dma semaphore(%arg16 : memref<!tpu.dma_semaphore, #tpu.memory_space<semaphore_mem>>) src(%dma_wait3A_191 : memref<100000x128xf32, #tpu.memory_space<hbm>>) dst(%arg12 : memref<128x128xf32, #tpu.memory_space<vmem>>)
    %get3A_192 = arith.constant 2 : i32
    %get3A_193 = arith.index_cast %get3A_192 : i32 to index
    %get3A_194 = memref.load %arg9[%get3A_193] : memref<8xi32, #tpu.memory_space<smem>>
    %gt3A_195 = arith.constant 0 : i32
    %gt3A_196 = arith.cmpi sgt, %get3A_194, %gt3A_195 : i32
    %convert_element_type3A_197 = arith.extui %gt3A_196 : i1 to i32
    %cond3A_198 = arith.constant 0 : i32
    %cond3A_199 = arith.cmpi ne, %convert_element_type3A_197, %cond3A_198 : i32
    scf.if %cond3A_199 {
      %scan3A_343 = arith.constant 0 : i32
      %scan3A_344 = arith.constant 0 : i32
      %scan3A_345 = arith.constant 8 : i32
      %scan3A_346 = arith.addi %scan3A_344, %scan3A_345 : i32
      %scan3A_347 = arith.constant 1 : i32
      scf.for %scan3A_349 = %scan3A_344 to %scan3A_346 step %scan3A_347  : i32 {
        %mul3A_350 = arith.constant 16 : i32
        %mul3A_351 = arith.muli %scan3A_349, %mul3A_350 : i32
        %add3A_352 = arith.constant 256 : i32
        %add3A_353 = arith.addi %add3A_352, %mul3A_351 : i32
        %get3A_354 = arith.index_cast %add3A_353 : i32 to index
        %get3A_355 = tpu.vector_load %arg7[%get3A_354] {strides = array<i32>} : memref<1024xi32, #tpu.memory_space<vmem>>, vector<16xi32>,
        %ge3A = arith.cmpi sge, %get3A_355, %broadcast_in_dim3A_5 : vector<16xi32>
        %all_reduce_population_count3A_356 = tpu.all_reduce %ge3A {dim = 0 : i64, kind = #tpu.reduction_kind<sum>} : vector<16xi1> -> vector<16xi32>
        %slice3A_357 = vector.extract_strided_slice %all_reduce_population_count3A_356 {offsets = [0], sizes = [1], strides = [1]} : vector<16xi32> to vector<1xi32>
        %squeeze3A_358 = vector.extract %slice3A_357[0] : i32 from vector<1xi32>
        %gt3A_359 = arith.constant 0 : i32
        %gt3A_360 = arith.cmpi sgt, %squeeze3A_358, %gt3A_359 : i32
        %convert_element_type3A_361 = arith.extui %gt3A_360 : i1 to i32
        %cond3A_362 = arith.constant 0 : i32
        %cond3A_363 = arith.cmpi ne, %convert_element_type3A_361, %cond3A_362 : i32
        scf.if %cond3A_363 {
          %sub3A = arith.subi %get3A_355, %broadcast_in_dim3A_5 : vector<16xi32>
          %max3A = arith.maxsi %sub3A, %broadcast_in_dim3A_7 : vector<16xi32>
          %broadcast_in_dim3A_364 = arith.constant 127 : i32
          %broadcast_in_dim3A_365 = vector.broadcast %broadcast_in_dim3A_364 : i32 to vector<16xi32>
          %min3A = arith.minsi %max3A, %broadcast_in_dim3A_365 : vector<16xi32>
          %mul3A_366 = arith.constant 16 : i32
          %mul3A_367 = arith.muli %scan3A_349, %mul3A_366 : i32
          %broadcast_in_dim3A_368 = vector.broadcast %mul3A_367 : i32 to vector<16xi32>
          %add3A_369 = arith.addi %broadcast_in_dim3A_368, %iota3A : vector<16xi32>
          %scan3A_370 = arith.constant 0 : i32
          %scan3A_371 = arith.constant 0 : i32
          %scan3A_372 = arith.constant 128 : i32
          %scan3A_373 = arith.addi %scan3A_371, %scan3A_372 : i32
          %scan3A_374 = arith.constant 1 : i32
          scf.for %scan3A_376 = %scan3A_371 to %scan3A_373 step %scan3A_374  : i32 {
            %broadcast_in_dim3A_377 = vector.broadcast %scan3A_376 : i32 to vector<16xi32>
            %gather3A = tpu.vector_load_idx %arg6[%min3A, %broadcast_in_dim3A_377] masked %ge3A : memref<128x128xf32, #tpu.memory_space<vmem>>[vector<16xi32>, vector<16xi32>], vector<16xf32>, vector<16xi1>
            tpu.vector_store_idx %arg12[%add3A_369, %broadcast_in_dim3A_377], %gather3A masked %ge3A : memref<128x128xf32, #tpu.memory_space<vmem>>[vector<16xi32>, vector<16xi32>], vector<16xf32>, vector<16xi1>
          }
          %scan3A_375 = arith.constant 128 : i32
        } else {
        }
      }
      %scan3A_348 = arith.constant 8 : i32
    } else {
    }
    %add3A_200 = arith.constant 256 : i32
    %add3A_201 = arith.addi %mul3A_2, %add3A_200 : i32
    %dma_start3A_202 = arith.constant 0 : i32
    %dma_start3A_203 = tpu.memref_slice %arg5[%add3A_201, %dma_start3A_202] : memref<32768x128xf32, #tpu.memory_space<hbm>> -> memref<128x128xf32, #tpu.memory_space<hbm>>
    %dma_start3A_204 = arith.constant 0 : i32
    %dma_start3A_205 = tpu.memref_slice %arg5[%add3A_201, %dma_start3A_204] : memref<32768x128xf32, #tpu.memory_space<hbm>> -> memref<128x128xf32, #tpu.memory_space<hbm>>
    tpu.enqueue_dma source(%arg12 : memref<128x128xf32, #tpu.memory_space<vmem>>) target(%dma_start3A_205 : memref<128x128xf32, #tpu.memory_space<hbm>>) target_semaphore(%arg17 : memref<!tpu.dma_semaphore, #tpu.memory_space<semaphore_mem>>)
    %dma_wait3A_206 = arith.constant 0 : i32
    %dma_wait3A_207 = tpu.memref_slice %arg5[%add3A_153, %dma_wait3A_206] : memref<32768x128xf32, #tpu.memory_space<hbm>> -> memref<128x128xf32, #tpu.memory_space<hbm>>
    %dma_wait3A_208 = arith.constant 0 : i32
    %dma_wait3A_209 = tpu.memref_slice %arg5[%add3A_153, %dma_wait3A_208] : memref<32768x128xf32, #tpu.memory_space<hbm>> -> memref<128x128xf32, #tpu.memory_space<hbm>>
    tpu.wait_dma2 semaphore(%arg17 : memref<!tpu.dma_semaphore, #tpu.memory_space<semaphore_mem>>) src(%arg10 : memref<128x128xf32, #tpu.memory_space<vmem>>) dst(%dma_wait3A_209 : memref<128x128xf32, #tpu.memory_space<hbm>>)
    %dma_start3A_210 = arith.constant 768 : i32
    %dma_start3A_211 = tpu.memref_slice %arg8[%dma_start3A_210] : memref<1024xi32, #tpu.memory_space<vmem>> -> memref<128xi32, #tpu.memory_space<vmem>>
    %dma_start3A_212 = arith.constant 0 : i32
    %dma_start3A_213 = arith.constant 0 : i32
    %dma_start3A_214 = tpu.memref_slice %arg3[%dma_start3A_212, %dma_start3A_213] : memref<100000x128xf32, #tpu.memory_space<hbm>> -> memref<100000x128xf32, #tpu.memory_space<hbm>>
    tpu.enqueue_indirect_dma source(%dma_start3A_214 : memref<100000x128xf32, #tpu.memory_space<hbm>>) target(%arg10 : memref<128x128xf32, #tpu.memory_space<vmem>>) offsets(%dma_start3A_211 : memref<128xi32, #tpu.memory_space<vmem>>) semaphore(%arg16 : memref<!tpu.dma_semaphore, #tpu.memory_space<semaphore_mem>>)
    %dma_wait3A_215 = arith.constant 384 : i32
    %dma_wait3A_216 = tpu.memref_slice %arg8[%dma_wait3A_215] : memref<1024xi32, #tpu.memory_space<vmem>> -> memref<128xi32, #tpu.memory_space<vmem>>
    %dma_wait3A_217 = arith.constant 0 : i32
    %dma_wait3A_218 = arith.constant 0 : i32
    %dma_wait3A_219 = tpu.memref_slice %arg3[%dma_wait3A_217, %dma_wait3A_218] : memref<100000x128xf32, #tpu.memory_space<hbm>> -> memref<100000x128xf32, #tpu.memory_space<hbm>>
    tpu.wait_indirect_dma semaphore(%arg16 : memref<!tpu.dma_semaphore, #tpu.memory_space<semaphore_mem>>) src(%dma_wait3A_219 : memref<100000x128xf32, #tpu.memory_space<hbm>>) dst(%arg13 : memref<128x128xf32, #tpu.memory_space<vmem>>)
    %get3A_220 = arith.constant 3 : i32
    %get3A_221 = arith.index_cast %get3A_220 : i32 to index
    %get3A_222 = memref.load %arg9[%get3A_221] : memref<8xi32, #tpu.memory_space<smem>>
    %gt3A_223 = arith.constant 0 : i32
    %gt3A_224 = arith.cmpi sgt, %get3A_222, %gt3A_223 : i32
    %convert_element_type3A_225 = arith.extui %gt3A_224 : i1 to i32
    %cond3A_226 = arith.constant 0 : i32
    %cond3A_227 = arith.cmpi ne, %convert_element_type3A_225, %cond3A_226 : i32
    scf.if %cond3A_227 {
      %scan3A_343 = arith.constant 0 : i32
      %scan3A_344 = arith.constant 0 : i32
      %scan3A_345 = arith.constant 8 : i32
      %scan3A_346 = arith.addi %scan3A_344, %scan3A_345 : i32
      %scan3A_347 = arith.constant 1 : i32
      scf.for %scan3A_349 = %scan3A_344 to %scan3A_346 step %scan3A_347  : i32 {
        %mul3A_350 = arith.constant 16 : i32
        %mul3A_351 = arith.muli %scan3A_349, %mul3A_350 : i32
        %add3A_352 = arith.constant 384 : i32
        %add3A_353 = arith.addi %add3A_352, %mul3A_351 : i32
        %get3A_354 = arith.index_cast %add3A_353 : i32 to index
        %get3A_355 = tpu.vector_load %arg7[%get3A_354] {strides = array<i32>} : memref<1024xi32, #tpu.memory_space<vmem>>, vector<16xi32>,
        %ge3A = arith.cmpi sge, %get3A_355, %broadcast_in_dim3A_5 : vector<16xi32>
        %all_reduce_population_count3A_356 = tpu.all_reduce %ge3A {dim = 0 : i64, kind = #tpu.reduction_kind<sum>} : vector<16xi1> -> vector<16xi32>
        %slice3A_357 = vector.extract_strided_slice %all_reduce_population_count3A_356 {offsets = [0], sizes = [1], strides = [1]} : vector<16xi32> to vector<1xi32>
        %squeeze3A_358 = vector.extract %slice3A_357[0] : i32 from vector<1xi32>
        %gt3A_359 = arith.constant 0 : i32
        %gt3A_360 = arith.cmpi sgt, %squeeze3A_358, %gt3A_359 : i32
        %convert_element_type3A_361 = arith.extui %gt3A_360 : i1 to i32
        %cond3A_362 = arith.constant 0 : i32
        %cond3A_363 = arith.cmpi ne, %convert_element_type3A_361, %cond3A_362 : i32
        scf.if %cond3A_363 {
          %sub3A = arith.subi %get3A_355, %broadcast_in_dim3A_5 : vector<16xi32>
          %max3A = arith.maxsi %sub3A, %broadcast_in_dim3A_7 : vector<16xi32>
          %broadcast_in_dim3A_364 = arith.constant 127 : i32
          %broadcast_in_dim3A_365 = vector.broadcast %broadcast_in_dim3A_364 : i32 to vector<16xi32>
          %min3A = arith.minsi %max3A, %broadcast_in_dim3A_365 : vector<16xi32>
          %mul3A_366 = arith.constant 16 : i32
          %mul3A_367 = arith.muli %scan3A_349, %mul3A_366 : i32
          %broadcast_in_dim3A_368 = vector.broadcast %mul3A_367 : i32 to vector<16xi32>
          %add3A_369 = arith.addi %broadcast_in_dim3A_368, %iota3A : vector<16xi32>
          %scan3A_370 = arith.constant 0 : i32
          %scan3A_371 = arith.constant 0 : i32
          %scan3A_372 = arith.constant 128 : i32
          %scan3A_373 = arith.addi %scan3A_371, %scan3A_372 : i32
          %scan3A_374 = arith.constant 1 : i32
          scf.for %scan3A_376 = %scan3A_371 to %scan3A_373 step %scan3A_374  : i32 {
            %broadcast_in_dim3A_377 = vector.broadcast %scan3A_376 : i32 to vector<16xi32>
            %gather3A = tpu.vector_load_idx %arg6[%min3A, %broadcast_in_dim3A_377] masked %ge3A : memref<128x128xf32, #tpu.memory_space<vmem>>[vector<16xi32>, vector<16xi32>], vector<16xf32>, vector<16xi1>
            tpu.vector_store_idx %arg13[%add3A_369, %broadcast_in_dim3A_377], %gather3A masked %ge3A : memref<128x128xf32, #tpu.memory_space<vmem>>[vector<16xi32>, vector<16xi32>], vector<16xf32>, vector<16xi1>
          }
          %scan3A_375 = arith.constant 128 : i32
        } else {
        }
      }
      %scan3A_348 = arith.constant 8 : i32
    } else {
    }
    %add3A_228 = arith.constant 384 : i32
    %add3A_229 = arith.addi %mul3A_2, %add3A_228 : i32
    %dma_start3A_230 = arith.constant 0 : i32
    %dma_start3A_231 = tpu.memref_slice %arg5[%add3A_229, %dma_start3A_230] : memref<32768x128xf32, #tpu.memory_space<hbm>> -> memref<128x128xf32, #tpu.memory_space<hbm>>
    %dma_start3A_232 = arith.constant 0 : i32
    %dma_start3A_233 = tpu.memref_slice %arg5[%add3A_229, %dma_start3A_232] : memref<32768x128xf32, #tpu.memory_space<hbm>> -> memref<128x128xf32, #tpu.memory_space<hbm>>
    tpu.enqueue_dma source(%arg13 : memref<128x128xf32, #tpu.memory_space<vmem>>) target(%dma_start3A_233 : memref<128x128xf32, #tpu.memory_space<hbm>>) target_semaphore(%arg17 : memref<!tpu.dma_semaphore, #tpu.memory_space<semaphore_mem>>)
    %dma_wait3A_234 = arith.constant 0 : i32
    %dma_wait3A_235 = tpu.memref_slice %arg5[%add3A_177, %dma_wait3A_234] : memref<32768x128xf32, #tpu.memory_space<hbm>> -> memref<128x128xf32, #tpu.memory_space<hbm>>
    %dma_wait3A_236 = arith.constant 0 : i32
    %dma_wait3A_237 = tpu.memref_slice %arg5[%add3A_177, %dma_wait3A_236] : memref<32768x128xf32, #tpu.memory_space<hbm>> -> memref<128x128xf32, #tpu.memory_space<hbm>>
    tpu.wait_dma2 semaphore(%arg17 : memref<!tpu.dma_semaphore, #tpu.memory_space<semaphore_mem>>) src(%arg11 : memref<128x128xf32, #tpu.memory_space<vmem>>) dst(%dma_wait3A_237 : memref<128x128xf32, #tpu.memory_space<hbm>>)
    %dma_start3A_238 = arith.constant 896 : i32
    %dma_start3A_239 = tpu.memref_slice %arg8[%dma_start3A_238] : memref<1024xi32, #tpu.memory_space<vmem>> -> memref<128xi32, #tpu.memory_space<vmem>>
    %dma_start3A_240 = arith.constant 0 : i32
    %dma_start3A_241 = arith.constant 0 : i32
    %dma_start3A_242 = tpu.memref_slice %arg3[%dma_start3A_240, %dma_start3A_241] : memref<100000x128xf32, #tpu.memory_space<hbm>> -> memref<100000x128xf32, #tpu.memory_space<hbm>>
    tpu.enqueue_indirect_dma source(%dma_start3A_242 : memref<100000x128xf32, #tpu.memory_space<hbm>>) target(%arg11 : memref<128x128xf32, #tpu.memory_space<vmem>>) offsets(%dma_start3A_239 : memref<128xi32, #tpu.memory_space<vmem>>) semaphore(%arg16 : memref<!tpu.dma_semaphore, #tpu.memory_space<semaphore_mem>>)
    %dma_wait3A_243 = arith.constant 512 : i32
    %dma_wait3A_244 = tpu.memref_slice %arg8[%dma_wait3A_243] : memref<1024xi32, #tpu.memory_space<vmem>> -> memref<128xi32, #tpu.memory_space<vmem>>
    %dma_wait3A_245 = arith.constant 0 : i32
    %dma_wait3A_246 = arith.constant 0 : i32
    %dma_wait3A_247 = tpu.memref_slice %arg3[%dma_wait3A_245, %dma_wait3A_246] : memref<100000x128xf32, #tpu.memory_space<hbm>> -> memref<100000x128xf32, #tpu.memory_space<hbm>>
    tpu.wait_indirect_dma semaphore(%arg16 : memref<!tpu.dma_semaphore, #tpu.memory_space<semaphore_mem>>) src(%dma_wait3A_247 : memref<100000x128xf32, #tpu.memory_space<hbm>>) dst(%arg14 : memref<128x128xf32, #tpu.memory_space<vmem>>)
    %get3A_248 = arith.constant 4 : i32
    %get3A_249 = arith.index_cast %get3A_248 : i32 to index
    %get3A_250 = memref.load %arg9[%get3A_249] : memref<8xi32, #tpu.memory_space<smem>>
    %gt3A_251 = arith.constant 0 : i32
    %gt3A_252 = arith.cmpi sgt, %get3A_250, %gt3A_251 : i32
    %convert_element_type3A_253 = arith.extui %gt3A_252 : i1 to i32
    %cond3A_254 = arith.constant 0 : i32
    %cond3A_255 = arith.cmpi ne, %convert_element_type3A_253, %cond3A_254 : i32
    scf.if %cond3A_255 {
      %scan3A_343 = arith.constant 0 : i32
      %scan3A_344 = arith.constant 0 : i32
      %scan3A_345 = arith.constant 8 : i32
      %scan3A_346 = arith.addi %scan3A_344, %scan3A_345 : i32
      %scan3A_347 = arith.constant 1 : i32
      scf.for %scan3A_349 = %scan3A_344 to %scan3A_346 step %scan3A_347  : i32 {
        %mul3A_350 = arith.constant 16 : i32
        %mul3A_351 = arith.muli %scan3A_349, %mul3A_350 : i32
        %add3A_352 = arith.constant 512 : i32
        %add3A_353 = arith.addi %add3A_352, %mul3A_351 : i32
        %get3A_354 = arith.index_cast %add3A_353 : i32 to index
        %get3A_355 = tpu.vector_load %arg7[%get3A_354] {strides = array<i32>} : memref<1024xi32, #tpu.memory_space<vmem>>, vector<16xi32>,
        %ge3A = arith.cmpi sge, %get3A_355, %broadcast_in_dim3A_5 : vector<16xi32>
        %all_reduce_population_count3A_356 = tpu.all_reduce %ge3A {dim = 0 : i64, kind = #tpu.reduction_kind<sum>} : vector<16xi1> -> vector<16xi32>
        %slice3A_357 = vector.extract_strided_slice %all_reduce_population_count3A_356 {offsets = [0], sizes = [1], strides = [1]} : vector<16xi32> to vector<1xi32>
        %squeeze3A_358 = vector.extract %slice3A_357[0] : i32 from vector<1xi32>
        %gt3A_359 = arith.constant 0 : i32
        %gt3A_360 = arith.cmpi sgt, %squeeze3A_358, %gt3A_359 : i32
        %convert_element_type3A_361 = arith.extui %gt3A_360 : i1 to i32
        %cond3A_362 = arith.constant 0 : i32
        %cond3A_363 = arith.cmpi ne, %convert_element_type3A_361, %cond3A_362 : i32
        scf.if %cond3A_363 {
          %sub3A = arith.subi %get3A_355, %broadcast_in_dim3A_5 : vector<16xi32>
          %max3A = arith.maxsi %sub3A, %broadcast_in_dim3A_7 : vector<16xi32>
          %broadcast_in_dim3A_364 = arith.constant 127 : i32
          %broadcast_in_dim3A_365 = vector.broadcast %broadcast_in_dim3A_364 : i32 to vector<16xi32>
          %min3A = arith.minsi %max3A, %broadcast_in_dim3A_365 : vector<16xi32>
          %mul3A_366 = arith.constant 16 : i32
          %mul3A_367 = arith.muli %scan3A_349, %mul3A_366 : i32
          %broadcast_in_dim3A_368 = vector.broadcast %mul3A_367 : i32 to vector<16xi32>
          %add3A_369 = arith.addi %broadcast_in_dim3A_368, %iota3A : vector<16xi32>
          %scan3A_370 = arith.constant 0 : i32
          %scan3A_371 = arith.constant 0 : i32
          %scan3A_372 = arith.constant 128 : i32
          %scan3A_373 = arith.addi %scan3A_371, %scan3A_372 : i32
          %scan3A_374 = arith.constant 1 : i32
          scf.for %scan3A_376 = %scan3A_371 to %scan3A_373 step %scan3A_374  : i32 {
            %broadcast_in_dim3A_377 = vector.broadcast %scan3A_376 : i32 to vector<16xi32>
            %gather3A = tpu.vector_load_idx %arg6[%min3A, %broadcast_in_dim3A_377] masked %ge3A : memref<128x128xf32, #tpu.memory_space<vmem>>[vector<16xi32>, vector<16xi32>], vector<16xf32>, vector<16xi1>
            tpu.vector_store_idx %arg14[%add3A_369, %broadcast_in_dim3A_377], %gather3A masked %ge3A : memref<128x128xf32, #tpu.memory_space<vmem>>[vector<16xi32>, vector<16xi32>], vector<16xf32>, vector<16xi1>
          }
          %scan3A_375 = arith.constant 128 : i32
        } else {
        }
      }
      %scan3A_348 = arith.constant 8 : i32
    } else {
    }
    %add3A_256 = arith.constant 512 : i32
    %add3A_257 = arith.addi %mul3A_2, %add3A_256 : i32
    %dma_start3A_258 = arith.constant 0 : i32
    %dma_start3A_259 = tpu.memref_slice %arg5[%add3A_257, %dma_start3A_258] : memref<32768x128xf32, #tpu.memory_space<hbm>> -> memref<128x128xf32, #tpu.memory_space<hbm>>
    %dma_start3A_260 = arith.constant 0 : i32
    %dma_start3A_261 = tpu.memref_slice %arg5[%add3A_257, %dma_start3A_260] : memref<32768x128xf32, #tpu.memory_space<hbm>> -> memref<128x128xf32, #tpu.memory_space<hbm>>
    tpu.enqueue_dma source(%arg14 : memref<128x128xf32, #tpu.memory_space<vmem>>) target(%dma_start3A_261 : memref<128x128xf32, #tpu.memory_space<hbm>>) target_semaphore(%arg17 : memref<!tpu.dma_semaphore, #tpu.memory_space<semaphore_mem>>)
    %dma_wait3A_262 = arith.constant 640 : i32
    %dma_wait3A_263 = tpu.memref_slice %arg8[%dma_wait3A_262] : memref<1024xi32, #tpu.memory_space<vmem>> -> memref<128xi32, #tpu.memory_space<vmem>>
    %dma_wait3A_264 = arith.constant 0 : i32
    %dma_wait3A_265 = arith.constant 0 : i32
    %dma_wait3A_266 = tpu.memref_slice %arg3[%dma_wait3A_264, %dma_wait3A_265] : memref<100000x128xf32, #tpu.memory_space<hbm>> -> memref<100000x128xf32, #tpu.memory_space<hbm>>
    tpu.wait_indirect_dma semaphore(%arg16 : memref<!tpu.dma_semaphore, #tpu.memory_space<semaphore_mem>>) src(%dma_wait3A_266 : memref<100000x128xf32, #tpu.memory_space<hbm>>) dst(%arg15 : memref<128x128xf32, #tpu.memory_space<vmem>>)
    %get3A_267 = arith.constant 5 : i32
    %get3A_268 = arith.index_cast %get3A_267 : i32 to index
    %get3A_269 = memref.load %arg9[%get3A_268] : memref<8xi32, #tpu.memory_space<smem>>
    %gt3A_270 = arith.constant 0 : i32
    %gt3A_271 = arith.cmpi sgt, %get3A_269, %gt3A_270 : i32
    %convert_element_type3A_272 = arith.extui %gt3A_271 : i1 to i32
    %cond3A_273 = arith.constant 0 : i32
    %cond3A_274 = arith.cmpi ne, %convert_element_type3A_272, %cond3A_273 : i32
    scf.if %cond3A_274 {
      %scan3A_343 = arith.constant 0 : i32
      %scan3A_344 = arith.constant 0 : i32
      %scan3A_345 = arith.constant 8 : i32
      %scan3A_346 = arith.addi %scan3A_344, %scan3A_345 : i32
      %scan3A_347 = arith.constant 1 : i32
      scf.for %scan3A_349 = %scan3A_344 to %scan3A_346 step %scan3A_347  : i32 {
        %mul3A_350 = arith.constant 16 : i32
        %mul3A_351 = arith.muli %scan3A_349, %mul3A_350 : i32
        %add3A_352 = arith.constant 640 : i32
        %add3A_353 = arith.addi %add3A_352, %mul3A_351 : i32
        %get3A_354 = arith.index_cast %add3A_353 : i32 to index
        %get3A_355 = tpu.vector_load %arg7[%get3A_354] {strides = array<i32>} : memref<1024xi32, #tpu.memory_space<vmem>>, vector<16xi32>,
        %ge3A = arith.cmpi sge, %get3A_355, %broadcast_in_dim3A_5 : vector<16xi32>
        %all_reduce_population_count3A_356 = tpu.all_reduce %ge3A {dim = 0 : i64, kind = #tpu.reduction_kind<sum>} : vector<16xi1> -> vector<16xi32>
        %slice3A_357 = vector.extract_strided_slice %all_reduce_population_count3A_356 {offsets = [0], sizes = [1], strides = [1]} : vector<16xi32> to vector<1xi32>
        %squeeze3A_358 = vector.extract %slice3A_357[0] : i32 from vector<1xi32>
        %gt3A_359 = arith.constant 0 : i32
        %gt3A_360 = arith.cmpi sgt, %squeeze3A_358, %gt3A_359 : i32
        %convert_element_type3A_361 = arith.extui %gt3A_360 : i1 to i32
        %cond3A_362 = arith.constant 0 : i32
        %cond3A_363 = arith.cmpi ne, %convert_element_type3A_361, %cond3A_362 : i32
        scf.if %cond3A_363 {
          %sub3A = arith.subi %get3A_355, %broadcast_in_dim3A_5 : vector<16xi32>
          %max3A = arith.maxsi %sub3A, %broadcast_in_dim3A_7 : vector<16xi32>
          %broadcast_in_dim3A_364 = arith.constant 127 : i32
          %broadcast_in_dim3A_365 = vector.broadcast %broadcast_in_dim3A_364 : i32 to vector<16xi32>
          %min3A = arith.minsi %max3A, %broadcast_in_dim3A_365 : vector<16xi32>
          %mul3A_366 = arith.constant 16 : i32
          %mul3A_367 = arith.muli %scan3A_349, %mul3A_366 : i32
          %broadcast_in_dim3A_368 = vector.broadcast %mul3A_367 : i32 to vector<16xi32>
          %add3A_369 = arith.addi %broadcast_in_dim3A_368, %iota3A : vector<16xi32>
          %scan3A_370 = arith.constant 0 : i32
          %scan3A_371 = arith.constant 0 : i32
          %scan3A_372 = arith.constant 128 : i32
          %scan3A_373 = arith.addi %scan3A_371, %scan3A_372 : i32
          %scan3A_374 = arith.constant 1 : i32
          scf.for %scan3A_376 = %scan3A_371 to %scan3A_373 step %scan3A_374  : i32 {
            %broadcast_in_dim3A_377 = vector.broadcast %scan3A_376 : i32 to vector<16xi32>
            %gather3A = tpu.vector_load_idx %arg6[%min3A, %broadcast_in_dim3A_377] masked %ge3A : memref<128x128xf32, #tpu.memory_space<vmem>>[vector<16xi32>, vector<16xi32>], vector<16xf32>, vector<16xi1>
            tpu.vector_store_idx %arg15[%add3A_369, %broadcast_in_dim3A_377], %gather3A masked %ge3A : memref<128x128xf32, #tpu.memory_space<vmem>>[vector<16xi32>, vector<16xi32>], vector<16xf32>, vector<16xi1>
          }
          %scan3A_375 = arith.constant 128 : i32
        } else {
        }
      }
      %scan3A_348 = arith.constant 8 : i32
    } else {
    }
    %add3A_275 = arith.constant 640 : i32
    %add3A_276 = arith.addi %mul3A_2, %add3A_275 : i32
    %dma_start3A_277 = arith.constant 0 : i32
    %dma_start3A_278 = tpu.memref_slice %arg5[%add3A_276, %dma_start3A_277] : memref<32768x128xf32, #tpu.memory_space<hbm>> -> memref<128x128xf32, #tpu.memory_space<hbm>>
    %dma_start3A_279 = arith.constant 0 : i32
    %dma_start3A_280 = tpu.memref_slice %arg5[%add3A_276, %dma_start3A_279] : memref<32768x128xf32, #tpu.memory_space<hbm>> -> memref<128x128xf32, #tpu.memory_space<hbm>>
    tpu.enqueue_dma source(%arg15 : memref<128x128xf32, #tpu.memory_space<vmem>>) target(%dma_start3A_280 : memref<128x128xf32, #tpu.memory_space<hbm>>) target_semaphore(%arg17 : memref<!tpu.dma_semaphore, #tpu.memory_space<semaphore_mem>>)
    %dma_wait3A_281 = arith.constant 768 : i32
    %dma_wait3A_282 = tpu.memref_slice %arg8[%dma_wait3A_281] : memref<1024xi32, #tpu.memory_space<vmem>> -> memref<128xi32, #tpu.memory_space<vmem>>
    %dma_wait3A_283 = arith.constant 0 : i32
    %dma_wait3A_284 = arith.constant 0 : i32
    %dma_wait3A_285 = tpu.memref_slice %arg3[%dma_wait3A_283, %dma_wait3A_284] : memref<100000x128xf32, #tpu.memory_space<hbm>> -> memref<100000x128xf32, #tpu.memory_space<hbm>>
    tpu.wait_indirect_dma semaphore(%arg16 : memref<!tpu.dma_semaphore, #tpu.memory_space<semaphore_mem>>) src(%dma_wait3A_285 : memref<100000x128xf32, #tpu.memory_space<hbm>>) dst(%arg10 : memref<128x128xf32, #tpu.memory_space<vmem>>)
    %get3A_286 = arith.constant 6 : i32
    %get3A_287 = arith.index_cast %get3A_286 : i32 to index
    %get3A_288 = memref.load %arg9[%get3A_287] : memref<8xi32, #tpu.memory_space<smem>>
    %gt3A_289 = arith.constant 0 : i32
    %gt3A_290 = arith.cmpi sgt, %get3A_288, %gt3A_289 : i32
    %convert_element_type3A_291 = arith.extui %gt3A_290 : i1 to i32
    %cond3A_292 = arith.constant 0 : i32
    %cond3A_293 = arith.cmpi ne, %convert_element_type3A_291, %cond3A_292 : i32
    scf.if %cond3A_293 {
      %scan3A_343 = arith.constant 0 : i32
      %scan3A_344 = arith.constant 0 : i32
      %scan3A_345 = arith.constant 8 : i32
      %scan3A_346 = arith.addi %scan3A_344, %scan3A_345 : i32
      %scan3A_347 = arith.constant 1 : i32
      scf.for %scan3A_349 = %scan3A_344 to %scan3A_346 step %scan3A_347  : i32 {
        %mul3A_350 = arith.constant 16 : i32
        %mul3A_351 = arith.muli %scan3A_349, %mul3A_350 : i32
        %add3A_352 = arith.constant 768 : i32
        %add3A_353 = arith.addi %add3A_352, %mul3A_351 : i32
        %get3A_354 = arith.index_cast %add3A_353 : i32 to index
        %get3A_355 = tpu.vector_load %arg7[%get3A_354] {strides = array<i32>} : memref<1024xi32, #tpu.memory_space<vmem>>, vector<16xi32>,
        %ge3A = arith.cmpi sge, %get3A_355, %broadcast_in_dim3A_5 : vector<16xi32>
        %all_reduce_population_count3A_356 = tpu.all_reduce %ge3A {dim = 0 : i64, kind = #tpu.reduction_kind<sum>} : vector<16xi1> -> vector<16xi32>
        %slice3A_357 = vector.extract_strided_slice %all_reduce_population_count3A_356 {offsets = [0], sizes = [1], strides = [1]} : vector<16xi32> to vector<1xi32>
        %squeeze3A_358 = vector.extract %slice3A_357[0] : i32 from vector<1xi32>
        %gt3A_359 = arith.constant 0 : i32
        %gt3A_360 = arith.cmpi sgt, %squeeze3A_358, %gt3A_359 : i32
        %convert_element_type3A_361 = arith.extui %gt3A_360 : i1 to i32
        %cond3A_362 = arith.constant 0 : i32
        %cond3A_363 = arith.cmpi ne, %convert_element_type3A_361, %cond3A_362 : i32
        scf.if %cond3A_363 {
          %sub3A = arith.subi %get3A_355, %broadcast_in_dim3A_5 : vector<16xi32>
          %max3A = arith.maxsi %sub3A, %broadcast_in_dim3A_7 : vector<16xi32>
          %broadcast_in_dim3A_364 = arith.constant 127 : i32
          %broadcast_in_dim3A_365 = vector.broadcast %broadcast_in_dim3A_364 : i32 to vector<16xi32>
          %min3A = arith.minsi %max3A, %broadcast_in_dim3A_365 : vector<16xi32>
          %mul3A_366 = arith.constant 16 : i32
          %mul3A_367 = arith.muli %scan3A_349, %mul3A_366 : i32
          %broadcast_in_dim3A_368 = vector.broadcast %mul3A_367 : i32 to vector<16xi32>
          %add3A_369 = arith.addi %broadcast_in_dim3A_368, %iota3A : vector<16xi32>
          %scan3A_370 = arith.constant 0 : i32
          %scan3A_371 = arith.constant 0 : i32
          %scan3A_372 = arith.constant 128 : i32
          %scan3A_373 = arith.addi %scan3A_371, %scan3A_372 : i32
          %scan3A_374 = arith.constant 1 : i32
          scf.for %scan3A_376 = %scan3A_371 to %scan3A_373 step %scan3A_374  : i32 {
            %broadcast_in_dim3A_377 = vector.broadcast %scan3A_376 : i32 to vector<16xi32>
            %gather3A = tpu.vector_load_idx %arg6[%min3A, %broadcast_in_dim3A_377] masked %ge3A : memref<128x128xf32, #tpu.memory_space<vmem>>[vector<16xi32>, vector<16xi32>], vector<16xf32>, vector<16xi1>
            tpu.vector_store_idx %arg10[%add3A_369, %broadcast_in_dim3A_377], %gather3A masked %ge3A : memref<128x128xf32, #tpu.memory_space<vmem>>[vector<16xi32>, vector<16xi32>], vector<16xf32>, vector<16xi1>
          }
          %scan3A_375 = arith.constant 128 : i32
        } else {
        }
      }
      %scan3A_348 = arith.constant 8 : i32
    } else {
    }
    %add3A_294 = arith.constant 768 : i32
    %add3A_295 = arith.addi %mul3A_2, %add3A_294 : i32
    %dma_start3A_296 = arith.constant 0 : i32
    %dma_start3A_297 = tpu.memref_slice %arg5[%add3A_295, %dma_start3A_296] : memref<32768x128xf32, #tpu.memory_space<hbm>> -> memref<128x128xf32, #tpu.memory_space<hbm>>
    %dma_start3A_298 = arith.constant 0 : i32
    %dma_start3A_299 = tpu.memref_slice %arg5[%add3A_295, %dma_start3A_298] : memref<32768x128xf32, #tpu.memory_space<hbm>> -> memref<128x128xf32, #tpu.memory_space<hbm>>
    tpu.enqueue_dma source(%arg10 : memref<128x128xf32, #tpu.memory_space<vmem>>) target(%dma_start3A_299 : memref<128x128xf32, #tpu.memory_space<hbm>>) target_semaphore(%arg17 : memref<!tpu.dma_semaphore, #tpu.memory_space<semaphore_mem>>)
    %dma_wait3A_300 = arith.constant 896 : i32
    %dma_wait3A_301 = tpu.memref_slice %arg8[%dma_wait3A_300] : memref<1024xi32, #tpu.memory_space<vmem>> -> memref<128xi32, #tpu.memory_space<vmem>>
    %dma_wait3A_302 = arith.constant 0 : i32
    %dma_wait3A_303 = arith.constant 0 : i32
    %dma_wait3A_304 = tpu.memref_slice %arg3[%dma_wait3A_302, %dma_wait3A_303] : memref<100000x128xf32, #tpu.memory_space<hbm>> -> memref<100000x128xf32, #tpu.memory_space<hbm>>
    tpu.wait_indirect_dma semaphore(%arg16 : memref<!tpu.dma_semaphore, #tpu.memory_space<semaphore_mem>>) src(%dma_wait3A_304 : memref<100000x128xf32, #tpu.memory_space<hbm>>) dst(%arg11 : memref<128x128xf32, #tpu.memory_space<vmem>>)
    %get3A_305 = arith.constant 7 : i32
    %get3A_306 = arith.index_cast %get3A_305 : i32 to index
    %get3A_307 = memref.load %arg9[%get3A_306] : memref<8xi32, #tpu.memory_space<smem>>
    %gt3A_308 = arith.constant 0 : i32
    %gt3A_309 = arith.cmpi sgt, %get3A_307, %gt3A_308 : i32
    %convert_element_type3A_310 = arith.extui %gt3A_309 : i1 to i32
    %cond3A_311 = arith.constant 0 : i32
    %cond3A_312 = arith.cmpi ne, %convert_element_type3A_310, %cond3A_311 : i32
    scf.if %cond3A_312 {
      %scan3A_343 = arith.constant 0 : i32
      %scan3A_344 = arith.constant 0 : i32
      %scan3A_345 = arith.constant 8 : i32
      %scan3A_346 = arith.addi %scan3A_344, %scan3A_345 : i32
      %scan3A_347 = arith.constant 1 : i32
      scf.for %scan3A_349 = %scan3A_344 to %scan3A_346 step %scan3A_347  : i32 {
        %mul3A_350 = arith.constant 16 : i32
        %mul3A_351 = arith.muli %scan3A_349, %mul3A_350 : i32
        %add3A_352 = arith.constant 896 : i32
        %add3A_353 = arith.addi %add3A_352, %mul3A_351 : i32
        %get3A_354 = arith.index_cast %add3A_353 : i32 to index
        %get3A_355 = tpu.vector_load %arg7[%get3A_354] {strides = array<i32>} : memref<1024xi32, #tpu.memory_space<vmem>>, vector<16xi32>,
        %ge3A = arith.cmpi sge, %get3A_355, %broadcast_in_dim3A_5 : vector<16xi32>
        %all_reduce_population_count3A_356 = tpu.all_reduce %ge3A {dim = 0 : i64, kind = #tpu.reduction_kind<sum>} : vector<16xi1> -> vector<16xi32>
        %slice3A_357 = vector.extract_strided_slice %all_reduce_population_count3A_356 {offsets = [0], sizes = [1], strides = [1]} : vector<16xi32> to vector<1xi32>
        %squeeze3A_358 = vector.extract %slice3A_357[0] : i32 from vector<1xi32>
        %gt3A_359 = arith.constant 0 : i32
        %gt3A_360 = arith.cmpi sgt, %squeeze3A_358, %gt3A_359 : i32
        %convert_element_type3A_361 = arith.extui %gt3A_360 : i1 to i32
        %cond3A_362 = arith.constant 0 : i32
        %cond3A_363 = arith.cmpi ne, %convert_element_type3A_361, %cond3A_362 : i32
        scf.if %cond3A_363 {
          %sub3A = arith.subi %get3A_355, %broadcast_in_dim3A_5 : vector<16xi32>
          %max3A = arith.maxsi %sub3A, %broadcast_in_dim3A_7 : vector<16xi32>
          %broadcast_in_dim3A_364 = arith.constant 127 : i32
          %broadcast_in_dim3A_365 = vector.broadcast %broadcast_in_dim3A_364 : i32 to vector<16xi32>
          %min3A = arith.minsi %max3A, %broadcast_in_dim3A_365 : vector<16xi32>
          %mul3A_366 = arith.constant 16 : i32
          %mul3A_367 = arith.muli %scan3A_349, %mul3A_366 : i32
          %broadcast_in_dim3A_368 = vector.broadcast %mul3A_367 : i32 to vector<16xi32>
          %add3A_369 = arith.addi %broadcast_in_dim3A_368, %iota3A : vector<16xi32>
          %scan3A_370 = arith.constant 0 : i32
          %scan3A_371 = arith.constant 0 : i32
          %scan3A_372 = arith.constant 128 : i32
          %scan3A_373 = arith.addi %scan3A_371, %scan3A_372 : i32
          %scan3A_374 = arith.constant 1 : i32
          scf.for %scan3A_376 = %scan3A_371 to %scan3A_373 step %scan3A_374  : i32 {
            %broadcast_in_dim3A_377 = vector.broadcast %scan3A_376 : i32 to vector<16xi32>
            %gather3A = tpu.vector_load_idx %arg6[%min3A, %broadcast_in_dim3A_377] masked %ge3A : memref<128x128xf32, #tpu.memory_space<vmem>>[vector<16xi32>, vector<16xi32>], vector<16xf32>, vector<16xi1>
            tpu.vector_store_idx %arg11[%add3A_369, %broadcast_in_dim3A_377], %gather3A masked %ge3A : memref<128x128xf32, #tpu.memory_space<vmem>>[vector<16xi32>, vector<16xi32>], vector<16xf32>, vector<16xi1>
          }
          %scan3A_375 = arith.constant 128 : i32
        } else {
        }
      }
      %scan3A_348 = arith.constant 8 : i32
    } else {
    }
    %add3A_313 = arith.constant 896 : i32
    %add3A_314 = arith.addi %mul3A_2, %add3A_313 : i32
    %dma_start3A_315 = arith.constant 0 : i32
    %dma_start3A_316 = tpu.memref_slice %arg5[%add3A_314, %dma_start3A_315] : memref<32768x128xf32, #tpu.memory_space<hbm>> -> memref<128x128xf32, #tpu.memory_space<hbm>>
    %dma_start3A_317 = arith.constant 0 : i32
    %dma_start3A_318 = tpu.memref_slice %arg5[%add3A_314, %dma_start3A_317] : memref<32768x128xf32, #tpu.memory_space<hbm>> -> memref<128x128xf32, #tpu.memory_space<hbm>>
    tpu.enqueue_dma source(%arg11 : memref<128x128xf32, #tpu.memory_space<vmem>>) target(%dma_start3A_318 : memref<128x128xf32, #tpu.memory_space<hbm>>) target_semaphore(%arg17 : memref<!tpu.dma_semaphore, #tpu.memory_space<semaphore_mem>>)
    %dma_wait3A_319 = arith.constant 0 : i32
    %dma_wait3A_320 = tpu.memref_slice %arg5[%add3A_201, %dma_wait3A_319] : memref<32768x128xf32, #tpu.memory_space<hbm>> -> memref<128x128xf32, #tpu.memory_space<hbm>>
    %dma_wait3A_321 = arith.constant 0 : i32
    %dma_wait3A_322 = tpu.memref_slice %arg5[%add3A_201, %dma_wait3A_321] : memref<32768x128xf32, #tpu.memory_space<hbm>> -> memref<128x128xf32, #tpu.memory_space<hbm>>
    tpu.wait_dma2 semaphore(%arg17 : memref<!tpu.dma_semaphore, #tpu.memory_space<semaphore_mem>>) src(%arg12 : memref<128x128xf32, #tpu.memory_space<vmem>>) dst(%dma_wait3A_322 : memref<128x128xf32, #tpu.memory_space<hbm>>)
    %dma_wait3A_323 = arith.constant 0 : i32
    %dma_wait3A_324 = tpu.memref_slice %arg5[%add3A_229, %dma_wait3A_323] : memref<32768x128xf32, #tpu.memory_space<hbm>> -> memref<128x128xf32, #tpu.memory_space<hbm>>
    %dma_wait3A_325 = arith.constant 0 : i32
    %dma_wait3A_326 = tpu.memref_slice %arg5[%add3A_229, %dma_wait3A_325] : memref<32768x128xf32, #tpu.memory_space<hbm>> -> memref<128x128xf32, #tpu.memory_space<hbm>>
    tpu.wait_dma2 semaphore(%arg17 : memref<!tpu.dma_semaphore, #tpu.memory_space<semaphore_mem>>) src(%arg13 : memref<128x128xf32, #tpu.memory_space<vmem>>) dst(%dma_wait3A_326 : memref<128x128xf32, #tpu.memory_space<hbm>>)
    %dma_wait3A_327 = arith.constant 0 : i32
    %dma_wait3A_328 = tpu.memref_slice %arg5[%add3A_257, %dma_wait3A_327] : memref<32768x128xf32, #tpu.memory_space<hbm>> -> memref<128x128xf32, #tpu.memory_space<hbm>>
    %dma_wait3A_329 = arith.constant 0 : i32
    %dma_wait3A_330 = tpu.memref_slice %arg5[%add3A_257, %dma_wait3A_329] : memref<32768x128xf32, #tpu.memory_space<hbm>> -> memref<128x128xf32, #tpu.memory_space<hbm>>
    tpu.wait_dma2 semaphore(%arg17 : memref<!tpu.dma_semaphore, #tpu.memory_space<semaphore_mem>>) src(%arg14 : memref<128x128xf32, #tpu.memory_space<vmem>>) dst(%dma_wait3A_330 : memref<128x128xf32, #tpu.memory_space<hbm>>)
    %dma_wait3A_331 = arith.constant 0 : i32
    %dma_wait3A_332 = tpu.memref_slice %arg5[%add3A_276, %dma_wait3A_331] : memref<32768x128xf32, #tpu.memory_space<hbm>> -> memref<128x128xf32, #tpu.memory_space<hbm>>
    %dma_wait3A_333 = arith.constant 0 : i32
    %dma_wait3A_334 = tpu.memref_slice %arg5[%add3A_276, %dma_wait3A_333] : memref<32768x128xf32, #tpu.memory_space<hbm>> -> memref<128x128xf32, #tpu.memory_space<hbm>>
    tpu.wait_dma2 semaphore(%arg17 : memref<!tpu.dma_semaphore, #tpu.memory_space<semaphore_mem>>) src(%arg15 : memref<128x128xf32, #tpu.memory_space<vmem>>) dst(%dma_wait3A_334 : memref<128x128xf32, #tpu.memory_space<hbm>>)
    %dma_wait3A_335 = arith.constant 0 : i32
    %dma_wait3A_336 = tpu.memref_slice %arg5[%add3A_295, %dma_wait3A_335] : memref<32768x128xf32, #tpu.memory_space<hbm>> -> memref<128x128xf32, #tpu.memory_space<hbm>>
    %dma_wait3A_337 = arith.constant 0 : i32
    %dma_wait3A_338 = tpu.memref_slice %arg5[%add3A_295, %dma_wait3A_337] : memref<32768x128xf32, #tpu.memory_space<hbm>> -> memref<128x128xf32, #tpu.memory_space<hbm>>
    tpu.wait_dma2 semaphore(%arg17 : memref<!tpu.dma_semaphore, #tpu.memory_space<semaphore_mem>>) src(%arg10 : memref<128x128xf32, #tpu.memory_space<vmem>>) dst(%dma_wait3A_338 : memref<128x128xf32, #tpu.memory_space<hbm>>)
    %dma_wait3A_339 = arith.constant 0 : i32
    %dma_wait3A_340 = tpu.memref_slice %arg5[%add3A_314, %dma_wait3A_339] : memref<32768x128xf32, #tpu.memory_space<hbm>> -> memref<128x128xf32, #tpu.memory_space<hbm>>
    %dma_wait3A_341 = arith.constant 0 : i32
    %dma_wait3A_342 = tpu.memref_slice %arg5[%add3A_314, %dma_wait3A_341] : memref<32768x128xf32, #tpu.memory_space<hbm>> -> memref<128x128xf32, #tpu.memory_space<hbm>>
    tpu.wait_dma2 semaphore(%arg17 : memref<!tpu.dma_semaphore, #tpu.memory_space<semaphore_mem>>) src(%arg11 : memref<128x128xf32, #tpu.memory_space<vmem>>) dst(%dma_wait3A_342 : memref<128x128xf32, #tpu.memory_space<hbm>>)
    return
  }
}

</mosaic_0001>

<sc_bundles>
// kernel: _lookup.3.cloned.1.call-start
scs
__scs_entry_jumppad:
0x0: {  	(pc) =	sbr.rel $0x88, $3  }
0x1: {  	(tag) =	ssettag $0x0;
	lr =	simm.s32 $0x1  }
0x2: {  	[smem:$0x3F9E] =	sst lr;
	_ =	strace $0xD0000000  }
0x3: {  	_ = 	snop  }
0x4: {  	_ = 	snop  }
0x5: {  	_ = 	snop  }
0x6: {  	_ = 	snop  }
0x7: {  	_ = 	snop  }
__scs_overlays_trampoline_lowered:
0x8: {  	[smem:$0x3FAD] =	sst s0  }
0x9: {  	[smem:$0x3FAE] =	sst s1  }
0xa: {  	[smem:$0x3FAF] =	sst s2  }
0xb: {  	[smem:$0x3FB0] =	sst s3  }
0xc: {  	[smem:$0x3FB1] =	sst s4  }
0xd: {  	[smem:$0x3FB2] =	sst s5  }
0xe: {  	[smem:$0x3FB3] =	sst s6  }
0xf: {  	[smem:$0x3FB4] =	sst s7  }
0x10: {  	[smem:$0x3FB5] =	sst s8  }
0x11: {  	[smem:$0x3FB6] =	sst s9;
	s0 =	simm.s32 @!p0 $0x0  }
0x12: {  	s1 =	sld [smem:$0x3F9C];
	s0 =	simm.s32 @p0 $0x1  }
0x13: {  	[smem:$0x3FB7] =	sst s0;
	s0 =	simm.s32 @!p1 $0x0  }
0x14: {  	s2 =	sld [smem:$0x3F9B];
	s0 =	simm.s32 @p1 $0x1  }
0x15: {  	[smem:$0x3FB8] =	sst s0;
	s0 =	simm.s32 @!p2 $0x0  }
0x16: {  	s3 =	sld [smem:$0x3FDB];
	s0 =	simm.s32 @p2 $0x1  }
0x17: {  	s4 =	simm.s32 $0x1BF5;
	[smem:$0x3FBA] =	sst s0  }
0x18: {  	s0 =	sld [smem:$0x3F9D];
	_ =	swait.ge [sflag:s4], $0x0  }
0x19: {  	s7 =	sld [smem:$0x3F9E]  }
0x1a: {  	s8 =	sadd.s32 $0xFFFFE003, lr  }
0x1b: {  	s9 =	sadd.s32 $0xFFFFFEF7, lr;
	s5 =	simm.s32 $0xFFFFFFFF;
	p2 =	slt.u32 s8, $0xFFFFF086  }
0x1c: {  	p1 =	slt.u32 s9, $0xF7A;
	s5 =	simm.s32 @!p2 $0x0  }
0x1d: {  	s5 =	simm.s32 @p1 $0x1;
	p0 =	seq.s32 s7, s2  }
0x1e: {  	s7 =	smul.u32 @!p0 $0xF7A, s2;
	p2 =	seq.s32 @!p0 s5, $0x0  }
0x1f: {  	s9 =	smul.u32 $0xF7A, s1;
	s8 =	simm.s32 @!p0 $0x1BF5;
	p2 =	por !p2, p0  }
0x20: {  	[sflag:s8] =	ssyncset.s32 @!p0 $0xFFFFF086;
	s6 =	sadd.s32 @!p0 s3, s7;
	s7 =	simm.s32 @!p0 $0x108  }
0x21: {  	s3 =	sadd.s32 s3, s9;
	s6 =	sadd.s32 @!p0 $0x88, s6;
	s7 =	simm.s32 @p2 $0x1082  }
0x22: {  	[simem:s7], [sflag:s8] =	dma.local @!p0 [hbm:s6], $0xF7A  }
0x23: {  	s9 =	sor.u32 $0xD0000000, s2;
	s6 =	simm.s32 $0x108;
	_ =	swait.ge @!p0 [sflag:s8], $0x0  }
0x24: {  	s3 =	sadd.s32 $0x88, s3;
	s6 =	simm.s32 @!p1 $0x1082;
	[sflag:s4] =	ssyncset.s32 $0xFFFFF086  }
0x25: {  	[simem:s6], [sflag:s4] =	dma.local [hbm:s3], $0xF7A  }
0x26: {  	[smem:$0x3F9E] =	sst s1;
	(tag) =	ssettag s2;
	_ =	strace s9  }
0x27: {  	s1 =	sld [smem:$0x3FAE]  }
0x28: {  	s2 =	sld [smem:$0x3FAF]  }
0x29: {  	s4 =	sld [smem:$0x3FB1]  }
0x2a: {  	p0 =	seq.s32 s5, $0x0;
	s5 =	sld [smem:$0x3FB2]  }
0x2b: {  	s6 =	sld [smem:$0x3FB3]  }
0x2c: {  	s7 =	sld [smem:$0x3FB4]  }
0x2d: {  	s3 =	simm.s32 $0x108;
	s8 =	sld [smem:$0x3FB5]  }
0x2e: {  	s3 =	simm.s32 @!p0 $0x1082;
	s9 =	sld [smem:$0x3FB6]  }
0x2f: {  	lr =	sadd.s32 s0, s3;
	s0 =	sld [smem:$0x3FAD]  }
0x30: {  	s3 =	sld [smem:$0x3FB0]  }
0x31: {  	[smem:$0x3FB9] =	sst s10  }
0x32: {  	s10 =	sld [smem:$0x3FB7];
	_ =	sdelay $0x3  }
0x33: {  	p0 =	seq.s32 s10, $0x1;
	s10 =	sld [smem:$0x3FB9];
	_ =	sdelay $0x3  }
0x34: {  	[smem:$0x3FB9] =	sst s10  }
0x35: {  	s10 =	sld [smem:$0x3FB8];
	_ =	sdelay $0x3  }
0x36: {  	p1 =	seq.s32 s10, $0x1;
	s10 =	sld [smem:$0x3FB9];
	_ =	sdelay $0x3  }
0x37: {  	[smem:$0x3FB9] =	sst s10  }
0x38: {  	s10 =	sld [smem:$0x3FBA]  }
0x39: {  	_ = 	snop;
	(pc) =	sbr.ind lr, $3  }
0x3a: {  	_ = 	snop  }
0x3b: {  	_ = 	snop  }
0x3c: {  	p2 =	seq.s32 s10, $0x1;
	s10 =	sld [smem:$0x3FB9]  }
0x3d: {  	_ =	shalt  }
0x3e: {  	_ =	shalt  }
0x3f: {  	_ =	shalt  }
0x40: {  	_ =	shalt  }
0x41: {  	_ =	shalt  }
0x42: {  	_ =	shalt  }
0x43: {  	_ =	shalt  }
0x44: {  	_ =	shalt  }
0x45: {  	_ =	shalt  }
0x46: {  	_ =	shalt  }
0x47: {  	_ =	shalt  }
0x48: {  	_ =	shalt  }
0x49: {  	_ =	shalt  }
0x4a: {  	_ =	shalt  }
0x4b: {  	_ =	shalt  }
0x4c: {  	_ =	shalt  }
0x4d: {  	_ =	shalt  }
0x4e: {  	_ =	shalt  }
0x4f: {  	_ =	shalt  }
0x50: {  	_ =	shalt  }
0x51: {  	_ =	shalt  }
0x52: {  	_ =	shalt  }
0x53: {  	_ =	shalt  }
0x54: {  	_ =	shalt  }
0x55: {  	_ =	shalt  }
0x56: {  	_ =	shalt  }
0x57: {  	_ =	shalt  }
0x58: {  	_ =	shalt  }
0x59: {  	_ =	shalt  }
0x5a: {  	_ =	shalt  }
0x5b: {  	_ =	shalt  }
0x5c: {  	_ =	shalt  }
0x5d: {  	_ =	shalt  }
0x5e: {  	_ =	shalt  }
0x5f: {  	_ =	shalt  }
0x60: {  	_ =	shalt  }
0x61: {  	_ =	shalt  }
0x62: {  	_ =	shalt  }
0x63: {  	_ =	shalt  }
0x64: {  	_ =	shalt  }
0x65: {  	_ =	shalt  }
0x66: {  	_ =	shalt  }
0x67: {  	_ =	shalt  }
0x68: {  	_ =	shalt  }
0x69: {  	_ =	shalt  }
0x6a: {  	_ =	shalt  }
0x6b: {  	_ =	shalt  }
0x6c: {  	_ =	shalt  }
0x6d: {  	_ =	shalt  }
0x6e: {  	_ =	shalt  }
0x6f: {  	_ =	shalt  }
0x70: {  	_ =	shalt  }
0x71: {  	_ =	shalt  }
0x72: {  	_ =	shalt  }
0x73: {  	_ =	shalt  }
0x74: {  	_ =	shalt  }
0x75: {  	_ =	shalt  }
0x76: {  	_ =	shalt  }
0x77: {  	_ =	shalt  }
0x78: {  	_ =	shalt  }
0x79: {  	_ =	shalt  }
0x7a: {  	_ =	shalt  }
0x7b: {  	_ =	shalt  }
0x7c: {  	_ =	shalt  }
0x7d: {  	_ =	shalt  }
0x7e: {  	_ =	shalt  }
0x7f: {  	_ =	shalt  }
0x80: {  	_ =	shalt  }
0x81: {  	_ =	shalt  }
0x82: {  	_ =	shalt  }
0x83: {  	_ =	shalt  }
0x84: {  	_ =	shalt  }
0x85: {  	_ =	shalt  }
0x86: {  	_ =	shalt  }
0x87: {  	_ =	shalt  }
.Lfunc_end0:
.L_simem_size_0:
called_computation_lowered:
.L_overlay_start_0:
0x88: {  	s2 =	sld [smem:$0x3FD9]  }
0x89: {  	s3 =	sld [smem:$0x3FFE];
	_ =	sdelay $0x1  }
0x8a: {  	s1 =	srdreg.scid  }
0x8b: {  	s0 =	sand.u32 $0x1, s1  }
0x8c: {  	s18 =	sshll.u32 s0, $0xA;
	s2 =	sadd.s32 s3, s2  }
0x8d: {  	s2 =	sadd.s32 s2, s18  }
0x8e: {  	[smem:$0x3FC5] =	sst s2  }
0x8f: {  	_ = 	snop  }
0x90: {  	s2 =	sld [smem:$0x3FC9]  }
0x91: {  	s19 =	sld [smem:$0x3FC8]  }
0x92: {  	s4 =	sld [smem:$0x3FC7]  }
0x93: {  	s5 =	sld [smem:$0x3FD0];
	(tm) =	ssettm $0x1  }
0x94: {  	s6 =	sld [smem:$0x3FFB];
	_ =	sdelay $0x3  }
0x95: {  	_ =	strace s6  }
0x96: {  	s6 =	sld [smem:$0x3FFC];
	_ =	sdelay $0x3  }
0x97: {  	_ =	strace s6  }
0x98: {  	s6 =	sld [smem:$0x3FFD];
	_ =	sdelay $0x3  }
0x99: {  	_ =	strace s6  }
0x9a: {  	_ =	strace $0x8FFFFFFF  }
0x9b: {  	s20 =	sld [smem:$0x3FDB];
	_ =	sdelay $0x1  }
0x9c: {  	s7 =	simm.s32 $_scs_section_size  }
0x9d: {  	s8 =	simm.s32 $_size__tile_overlayer_lowered;
	s9 =	simm.s32 $_tile_overlayer_lowered  }
0x9e: {  	s23 =	simm.s32 $0x1BFF;
	s22 =	sshll.u32 s9, $0x1;
	s6 =	sadd.s32 s7, s20  }
0x9f: {  	s10 =	simm.s32 $0x0;
	s21 =	sshll.u32 s8, $0x1;
	s8 =	sadd.s32 s22, s6  }
0xa0: {  	[timem:s10], [sflag:s23] =	dma.local [hbm:s8], s21  }
0xa1: {  	_ =	swait.ge [sflag:s23], s21  }
0xa2: {  	s7 =	ssub.s32 $0x0, s21;
	[sflag:s23] =	ssyncset.done $0x0  }
0xa3: {  	[sflag:s23] =	ssyncadd.s32 s7;
	_ =	sdelay $0x1  }
0xa4: {  	s24 =	simm.s32 $0x1B8B  }
0xa5: {  	_ =	swait.ge [sflag:s24], $0x1  }
0xa6: {  	[sflag:s24] =	ssyncset.done $0x0  }
0xa7: {  	s25 =	simm.s32 $0x1B8E;
	[sflag:s24] =	ssyncadd.s32 $0xFFFFFFFF  }
0xa8: {  	s26 =	simm.s32 $execute0_lowered;
	[smem:$0x3FD2] =	sst s25  }
0xa9: {  	s7 =	sshll.u32 s26, $0x1;
	_ =	strace $0x80000046;
	[dreg:$0x1] =	wrdreg $0xFFFFFFFF  }
0xaa: {  	s28 =	simm.s32 $_size_execute0_lowered;
	s6 =	sadd.s32 s6, s7;
	[dreg:$0x0] =	wrdreg $0x0  }
0xab: {  	s7 =	sshll.u32 s28, $0x1;
	[dreg:$0x2] =	wrdreg s6  }
0xac: {  	[dreg:$0x3] =	wrdreg s7  }
0xad: {  	[dreg:$0x4] =	wrdreg $0xC0  }
0xae: {  	_ =	task [dreg:s10], $0x5FFFF  }
0xaf: {  	[dreg:$0x1] =	wrdreg $0xFFFFFFFF  }
0xb0: {  	[dreg:$0x0] =	wrdreg $0x60  }
0xb1: {  	[dreg:$0x2] =	wrdreg s2  }
0xb2: {  	[dreg:$0x3] =	wrdreg s19  }
0xb3: {  	[dreg:$0x4] =	wrdreg s4  }
0xb4: {  	[dreg:$0x5] =	wrdreg s5  }
0xb5: {  	[dreg:$0x6] =	wrdreg $0x9  }
0xb6: {  	_ =	task.clear_ibuf [dreg:s10], $0x7FFFF;
	_ =	strace $0x90000046  }
0xb7: {  	s29 =	simm.s32 $0x9;
	_ =	strace $0x80000048  }
0xb8: {  	_ =	swait.ge [sflag:s29], $0x1  }
0xb9: {  	[sflag:s29] =	ssyncadd.s32 $0xFFFFFFFF  }
0xba: {  	_ =	strace $0x90000048  }
0xbb: {  	_ =	sfence  }
0xbc: {  	s30 =	sld [smem:$0x0];
	_ =	sdelay $0x2  }
0xbd: {  	s31 =	sshll.u32 s1, $0xD;
	s1 =	sshrl.u32 s1, $0x2  }
0xbe: {  	s3 =	sand.u32 $0x4000, s31;
	s1 =	sadd.s32 s1, s30  }
0xbf: {  	s0 =	sor.u32 s3, s0;
	s1 =	sshll.u32 s1, $0x11  }
0xc0: {  	s0 =	sor.u32 s1, s0  }
0xc1: {  	s0 =	sadd.s32 $0x8F2B, s0  }
0xc2: {  	[sflag:s0] =	ssyncadd.remote.s32 $0x1  }
0xc3: {  	_ =	sfence.sel $0xFFFF  }
0xc4: {  	[dreg:$0x0] =	wrdreg $0xFFFFFFFF;
	(pc) =	sbr.abs _section_cstart, $3  }
0xc5: {  	[dreg:$0x1] =	wrdreg $0xFFFFFFFF  }
0xc6: {  	_ =	task.clear_ibuf [dreg:s10], $0x2FFFF;
	_ =	strace $0x9FFFFFFF  }
0xc7: {  	(tm) =	ssettm $0x7FFFFFFF  }
tec
execute0_lowered:
.L_overlay_start_1:
0x0: {  	(tag) =	ssettag $0x1  }
0x1: {  	s0 =	rddreg [dreg:$0x0]  }
0x2: {  	s1 =	rddreg [dreg:$0x1]  }
0x3: {  	s2 =	rddreg [dreg:$0x3]  }
0x4: {  	s3 =	srdreg.scid;
	s5 =	stileid.u32;
	s4 =	simm.s32 $0x0  }
0x5: {  	s16 =	simm.s32 $0x4;
	s17 =	simm.s32 $0x80;
	s19 =	simm.s32 $0x4800  }
0x6: {  	s21 =	simm.s32 $0x8800;
	s23 =	simm.s32 $0xC800;
	s25 =	simm.s32 $0x10800  }
0x7: {  	s26 =	simm.s32 $0x3;
	s28 =	simm.s32 $0x1;
	s30 =	simm.s32 $0x14800  }
0x8: {  	s15 =	simm.s32 $0x4780;
	s18 =	simm.s32 $0x0;
	s3 =	sand.u32 $0x1, s3  }
0x9: {  	s5 =	sshll.u32 s5, $0xB;
	s6 =	sshll.u32 s3, $0xA;
	s3 =	ssub.s32 $0x2, s3  }
0xa: {  	[smem:$0x7FF] =	sst s4;
	s5 =	sor.u32 s6, s5;
	s29 =	sshrl.u32 s3, $0x1  }
0xb: {  	_ =	strace $0x80000047;
	s7 =	sshll.u32 s5, $0x4;
	s3 =	ssub.s32 s3, s29  }
.Ltmp0:
0xc: {  	s31 =	sshrl.u32 s5, $0x3;
	s5 =	sadd.s32 s2, s7;
	(pc) =	sbr.rel .LBB2_1-.Ltmp0, $4  }
0xd: {  	s6 =	sadd.s32 s0, s31;
	s14 =	smax.u32 s3, $0x1;
	s0 =	simm.s32 $0x18800  }
0xe: {  	s2 =	simm.s32 $0x2;
	s3 =	simm.s32 $0x4700;
	s7 =	sadd.s32 $0x800, s5  }
0xf: {  	v1 =	vlaneseq.u32;
	s8 =	sadd.s32 $0x1000, s5;
	s9 =	sadd.s32 $0x1800, s5;
	s10 =	sadd.s32 $0x2000, s5  }
0x10: {  	v0 =	vimm.s32 $0x0;
	v1 =	vmul.u32 $0x80, v1;
	s11 =	sadd.s32 $0x2800, s5;
	s12 =	sadd.s32 $0x3000, s5;
	s13 =	sadd.s32 $0x3800, s5  }
.LBB2_49:
0x11: {  	[hbm4b:s13+s4] =	stream.linear.scatter [tilespmem:s21], [sflag:$0x2], $0x4000, $0x38;
	[tilespmem:$0x1C800] =	vst v63  }
0x12: {  	_ =	swait.ge [sflag:s2], $0x4000  }
0x13: {  	[sflag:s2] =	ssyncset.done $0x0  }
0x14: {  	[sflag:s2] =	ssyncadd.s32 $0xFFFFC000  }
0x15: {  	_ =	swait.ge [sflag:s2], $0x4000  }
0x16: {  	[sflag:s2] =	ssyncset.done $0x0  }
0x17: {  	[sflag:s2] =	ssyncadd.s32 $0xFFFFC000  }
0x18: {  	_ =	swait.ge [sflag:s2], $0x4000  }
0x19: {  	[sflag:s2] =	ssyncset.done $0x0  }
0x1a: {  	[sflag:s2] =	ssyncadd.s32 $0xFFFFC000  }
0x1b: {  	_ =	swait.ge [sflag:s2], $0x4000  }
0x1c: {  	[sflag:s2] =	ssyncset.done $0x0  }
0x1d: {  	s18 =	sadd.s32 $0x1, s18;
	[sflag:s2] =	ssyncadd.s32 $0xFFFFC000  }
0x1e: {  	p0 =	sne.s32 s18, s14;
	_ =	swait.ge [sflag:s2], $0x4000  }
.Ltmp1:
0x1f: {  	[sflag:s2] =	ssyncset.done $0x0;
	(pc) =	sbr.rel @!p0 .LBB2_50-.Ltmp1, $4  }
0x20: {  	[sflag:s2] =	ssyncadd.s32 $0xFFFFC000  }
0x21: {  	_ =	swait.ge [sflag:s2], $0x4000  }
0x22: {  	[sflag:s2] =	ssyncset.done $0x0  }
0x23: {  	[sflag:s2] =	ssyncadd.s32 $0xFFFFC000  }
.LBB2_1:
0x24: {  	s20 =	rddreg [dreg:$0x2]  }
0x25: {  	[tilespmem:s4], [sflag:$0x3] =	stream.linear.gather [hbm4b:s20+s4], $0x4000, $0x38;
	[tilespmem:$0x1C800] =	vst v63  }
0x26: {  	s24 =	simm.s32 $0x4000  }
0x27: {  	[tilespmem:s24], [sflag:$0x4] =	stream.linear.gather [hbm4b:s6+s4], $0x400, $0x38;
	[tilespmem:$0x1C800] =	vst v63  }
0x28: {  	_ =	swait.ge [sflag:s16], $0x400  }
0x29: {  	[sflag:s16] =	ssyncset.done $0x0  }
0x2a: {  	[sflag:s16] =	ssyncadd.s32 $0xFFFFFC00  }
0x2b: {  	v2 =	vld [tilespmem:$0x4000]  }
0x2c: {  	v3 =	vld [tilespmem:$0x4010]  }
0x2d: {  	v4 =	vld [tilespmem:$0x4020]  }
0x2e: {  	v5 =	vld [tilespmem:$0x4030]  }
0x2f: {  	v6 =	vld [tilespmem:$0x4040]  }
0x30: {  	v7 =	vld [tilespmem:$0x4050];
	vm2 =	vgt.s32 v2, $0x1869F  }
0x31: {  	v8 =	vld [tilespmem:$0x4060];
	vm9 =	vgt.s32 v3, $0x1869F;
	v2 =	vsel vm2, $0x1869F, v2  }
0x32: {  	vm11 =	vgt.s32 v4, $0x1869F;
	[tilespmem:$0x4400] =	vst v2;
	v2 =	vsel vm9, $0x1869F, v3;
	v3 =	vld [tilespmem:$0x4070]  }
0x33: {  	vm12 =	vgt.s32 v5, $0x1869F;
	[tilespmem:$0x4410] =	vst v2;
	v2 =	vsel vm11, $0x1869F, v4  }
0x34: {  	vm13 =	vgt.s32 v6, $0x1869F;
	[tilespmem:$0x4420] =	vst v2;
	v2 =	vsel vm12, $0x1869F, v5  }
0x35: {  	vm10 =	vgt.s32 v7, $0x1869F;
	[tilespmem:$0x4430] =	vst v2;
	v2 =	vsel vm13, $0x1869F, v6  }
0x36: {  	vm1 =	vgt.s32 v8, $0x1869F;
	[tilespmem:$0x4440] =	vst v2;
	v2 =	vsel vm10, $0x1869F, v7  }
0x37: {  	[tilespmem:$0x4450] =	vst v2;
	v2 =	vsel vm1, $0x1869F, v8;
	vm0 =	vgt.s32 v3, $0x1869F  }
0x38: {  	[tilespmem:$0x4460] =	vst v2;
	v2 =	vsel vm0, $0x1869F, v3  }
0x39: {  	s29 =	simm.s32 $0x4400;
	[tilespmem:$0x4470] =	vst v2  }
0x3a: {  	[tilespmem:s19], [sflag:$0x1] =	stream.indirect.gather [hbm4b:s1+s17], $0x80, s29, s17, $0xb8;
	[tilespmem:$0x1C800] =	vst v63  }
0x3b: {  	v2 =	vld [tilespmem:$0x4080]  }
0x3c: {  	v3 =	vld [tilespmem:$0x4090]  }
0x3d: {  	v53 =	vld [tilespmem:$0x40A0]  }
0x3e: {  	v54 =	vld [tilespmem:$0x40B0]  }
0x3f: {  	v55 =	vld [tilespmem:$0x40C0]  }
0x40: {  	v56 =	vld [tilespmem:$0x40D0];
	vm15 =	vgt.s32 v2, $0x1869F  }
0x41: {  	v57 =	vld [tilespmem:$0x40E0];
	vm14 =	vgt.s32 v3, $0x1869F;
	v2 =	vsel vm15, $0x1869F, v2  }
0x42: {  	vm8 =	vgt.s32 v53, $0x1869F;
	[tilespmem:$0x4480] =	vst v2;
	v2 =	vsel vm14, $0x1869F, v3;
	v3 =	vld [tilespmem:$0x40F0]  }
0x43: {  	vm7 =	vgt.s32 v54, $0x1869F;
	[tilespmem:$0x4490] =	vst v2;
	v2 =	vsel vm8, $0x1869F, v53  }
0x44: {  	vm6 =	vgt.s32 v55, $0x1869F;
	[tilespmem:$0x44A0] =	vst v2;
	v2 =	vsel vm7, $0x1869F, v54  }
0x45: {  	vm5 =	vgt.s32 v56, $0x1869F;
	[tilespmem:$0x44B0] =	vst v2;
	v2 =	vsel vm6, $0x1869F, v55  }
0x46: {  	vm4 =	vgt.s32 v57, $0x1869F;
	[tilespmem:$0x44C0] =	vst v2;
	v2 =	vsel vm5, $0x1869F, v56  }
0x47: {  	[tilespmem:$0x44D0] =	vst v2;
	v2 =	vsel vm4, $0x1869F, v57;
	vm3 =	vgt.s32 v3, $0x1869F  }
0x48: {  	[tilespmem:$0x44E0] =	vst v2;
	v2 =	vsel vm3, $0x1869F, v3  }
0x49: {  	s31 =	simm.s32 $0x4480;
	[tilespmem:$0x44F0] =	vst v2  }
0x4a: {  	[tilespmem:s21], [sflag:$0x1] =	stream.indirect.gather [hbm4b:s1+s17], $0x80, s31, s17, $0xb8;
	[tilespmem:$0x1C800] =	vst v63  }
0x4b: {  	v2 =	vld [tilespmem:$0x4100]  }
0x4c: {  	v59 =	vld [tilespmem:$0x4110]  }
0x4d: {  	v61 =	vld [tilespmem:$0x4120]  }
0x4e: {  	v63 =	vld [tilespmem:$0x4130]  }
0x4f: {  	v52 =	vimm.s32 $0x0;
	v13 =	vld [tilespmem:$0x4140]  }
0x50: {  	v60 =	vsel vm11, $0x1, v0;
	v4 =	vsel vm0, $0xFFFFFFFF, v52;
	v14 =	vld [tilespmem:$0x4150];
	vm11 =	vgt.s32 v2, $0x1869F  }
0x51: {  	v9 =	vsel vm10, $0x1, v0;
	[tilespmem:$0x1FFB0] =	vst v4;
	v10 =	vld [tilespmem:$0x4160];
	vm10 =	vgt.s32 v59, $0x1869F;
	v2 =	vsel vm11, $0x1869F, v2  }
0x52: {  	v12 =	vsel vm13, $0x1, v0;
	v15 =	vld [tilespmem:$0x4170];
	vm13 =	vgt.s32 v61, $0x1869F;
	[tilespmem:$0x4500] =	vst v2;
	v2 =	vsel vm10, $0x1869F, v59  }
0x53: {  	vm0 =	vgt.s32 v63, $0x1869F;
	[tilespmem:$0x4510] =	vst v2;
	v2 =	vsel vm13, $0x1869F, v61  }
0x54: {  	v62 =	vsel vm12, $0x1, v0;
	vm12 =	vgt.s32 v13, $0x1869F;
	[tilespmem:$0x4520] =	vst v2;
	v2 =	vsel vm0, $0x1869F, v63  }
0x55: {  	v58 =	vsel vm9, $0x1, v0;
	vm9 =	vgt.s32 v14, $0x1869F;
	[tilespmem:$0x4530] =	vst v2;
	v2 =	vsel vm12, $0x1869F, v13  }
0x56: {  	v3 =	vsel vm2, $0x1, v0;
	vm2 =	vgt.s32 v10, $0x1869F;
	[tilespmem:$0x4540] =	vst v2;
	v2 =	vsel vm9, $0x1869F, v14  }
0x57: {  	v16 =	vsel vm1, $0x1, v0;
	vm1 =	vgt.s32 v15, $0x1869F;
	[tilespmem:$0x4550] =	vst v2;
	v2 =	vsel vm2, $0x1869F, v10  }
0x58: {  	[tilespmem:$0x4560] =	vst v2;
	v2 =	vsel vm1, $0x1869F, v15  }
0x59: {  	[tilespmem:$0x4570] =	vst v2;
	v2 =	vld [tilespmem:$0x1FFB0]  }
0x5a: {  	v17 =	vsel vm15, $0x1, v0;
	v18 =	vsel vm14, $0x1, v0;
	v3 =	vadd.s32 v58, v3  }
0x5b: {  	v19 =	vsel vm8, $0x1, v0;
	v20 =	vsel vm7, $0x1, v0;
	v3 =	vadd.s32 v60, v3  }
0x5c: {  	v21 =	vsel vm6, $0x1, v0;
	v6 =	vadd.s32 v18, v17;
	v3 =	vadd.s32 v62, v3  }
0x5d: {  	v22 =	vsel vm5, $0x1, v0;
	v4 =	vadd.s32 v19, v6;
	v3 =	vadd.s32 v12, v3  }
0x5e: {  	s22 =	simm.s32 $0x4500;
	v4 =	vadd.s32 v20, v4;
	v3 =	vadd.s32 v9, v3;
	vm14 =	vnez.u8 v2  }
0x5f: {  	v4 =	vadd.s32 v21, v4;
	v3 =	vadd.s32 v16, v3;
	[tilespmem:s23], [sflag:$0x1] =	stream.indirect.gather [hbm4b:s1+s17], $0x80, s22, s17, $0xb8;
	v2 =	vsel vm14, $0x1, v0;
	[tilespmem:$0x1C800] =	vst v63  }
0x60: {  	v23 =	vsel vm4, $0x1, v0;
	v24 =	vld [tilespmem:$0x4180];
	v2 =	vor.u32 v2, v3;
	v3 =	vadd.s32 v22, v4  }
0x61: {  	v25 =	vld [tilespmem:$0x4190];
	vm15 =	vne.s32 v2, $0x0;
	v2 =	vadd.s32 v23, v3;
	v3 =	vsel vm3, $0x1, v0  }
0x62: {  	v2 =	vor.u32 v3, v2;
	v3 =	vld [tilespmem:$0x41A0]  }
0x63: {  	v28 =	vld [tilespmem:$0x41B0]  }
0x64: {  	v31 =	vld [tilespmem:$0x41C0]  }
0x65: {  	v27 =	vsel vm10, $0x1, v0;
	v11 =	vld [tilespmem:$0x41D0];
	vm14 =	vgt.s32 v24, $0x1869F  }
0x66: {  	v33 =	vld [tilespmem:$0x41E0];
	v5 =	vsel vm14, $0x1869F, v24;
	v26 =	vmpcnt.ones.xlane vm15;
	vm15 =	vgt.s32 v25, $0x1869F  }
0x67: {  	v34 =	vld [tilespmem:$0x41F0];
	[tilespmem:$0x4580] =	vst v5;
	vm8 =	vne.s32 v2, $0x0;
	v4 =	vsel vm15, $0x1869F, v25;
	vm10 =	vgt.s32 v3, $0x1869F  }
0x68: {  	v2 =	vsel vm11, $0x1, v0;
	vm11 =	vgt.s32 v28, $0x1869F;
	[tilespmem:$0x4590] =	vst v4;
	v3 =	vsel vm10, $0x1869F, v3  }
0x69: {  	v12 =	vsel vm12, $0x1, v0;
	vm12 =	vgt.s32 v31, $0x1869F;
	[tilespmem:$0x45A0] =	vst v3;
	v3 =	vsel vm11, $0x1869F, v28  }
0x6a: {  	v30 =	vsel vm13, $0x1, v0;
	vm13 =	vgt.s32 v11, $0x1869F;
	[tilespmem:$0x45B0] =	vst v3;
	v3 =	vsel vm12, $0x1869F, v31  }
0x6b: {  	v36 =	vsel vm14, $0x1, v0;
	vm14 =	vgt.s32 v33, $0x1869F;
	[tilespmem:$0x45C0] =	vst v3;
	v3 =	vsel vm13, $0x1869F, v11  }
0x6c: {  	v37 =	vsel vm15, $0x1, v0;
	vm15 =	vgt.s32 v34, $0x1869F;
	[tilespmem:$0x45D0] =	vst v3;
	v3 =	vsel vm14, $0x1869F, v33  }
0x6d: {  	[tilespmem:$0x45E0] =	vst v3;
	v3 =	vsel vm15, $0x1869F, v34  }
0x6e: {  	s24 =	simm.s32 $0x4580;
	[tilespmem:$0x45F0] =	vst v3  }
0x6f: {  	v32 =	vsel vm0, $0x1, v0;
	v35 =	vsel vm9, $0x1, v0;
	[tilespmem:s25], [sflag:$0x1] =	stream.indirect.gather [hbm4b:s1+s17], $0x80, s24, s17, $0xb8;
	[tilespmem:$0x1C800] =	vst v63  }
0x70: {  	v39 =	vsel vm2, $0x1, v0;
	v42 =	vsel vm1, $0x1, v0;
	v2 =	vadd.s32 v27, v2;
	v44 =	vld [tilespmem:$0x4200]  }
0x71: {  	v41 =	vsel vm12, $0x1, v0;
	v43 =	vsel vm13, $0x1, v0;
	v2 =	vadd.s32 v30, v2;
	v46 =	vld [tilespmem:$0x4210]  }
0x72: {  	v45 =	vsel vm14, $0x1, v0;
	v25 =	vimm.s32 $0x0;
	v2 =	vadd.s32 v32, v2;
	v47 =	vld [tilespmem:$0x4220]  }
0x73: {  	v4 =	vadd.s32 v37, v36;
	v2 =	vadd.s32 v12, v2;
	v38 =	vsel vm10, $0x1, v0;
	v49 =	vld [tilespmem:$0x4240]  }
0x74: {  	v40 =	vsel vm11, $0x1, v0;
	v2 =	vadd.s32 v35, v2;
	v4 =	vadd.s32 v38, v4;
	v50 =	vld [tilespmem:$0x4250]  }
0x75: {  	v29 =	vmpcnt.ones.xlane vm8;
	v2 =	vadd.s32 v39, v2;
	v3 =	vadd.s32 v40, v4;
	v52 =	vld [tilespmem:$0x4260]  }
0x76: {  	(v2sf) =	vpush v26, $0x0;
	v2 =	vor.u32 v42, v2;
	v3 =	vadd.s32 v41, v3;
	v54 =	vld [tilespmem:$0x4270]  }
0x77: {  	v26 =	vimm.s32 $0x0;
	vm6 =	vne.s32 v2, $0x0;
	v3 =	vadd.s32 v43, v3;
	v13 =	vld [tilespmem:$0x4280]  }
0x78: {  	v48 =	vmpcnt.ones.xlane vm6;
	v14 =	vld [tilespmem:$0x4290];
	v2 =	vadd.s32 v45, v3;
	v3 =	vsel vm15, $0x1, v0  }
0x79: {  	(v2sf) =	vpush v29, $0x0;
	v38 =	vimm.s32 $0x0;
	v15 =	vld [tilespmem:$0x42A0];
	v2 =	vor.u32 v3, v2  }
0x7a: {  	v39 =	vimm.s32 $0x0;
	(v2sf) =	vpush v48, $0x0;
	vm7 =	vne.s32 v2, $0x0  }
0x7b: {  	v2 =	vmpcnt.ones.xlane vm7;
	vm8 =	vgt.s32 v44, $0x1869F;
	vm9 =	vgt.s32 v46, $0x1869F  }
0x7c: {  	v61 =	vld [tilespmem:$0x42B0];
	vm10 =	vgt.s32 v47, $0x1869F;
	vm12 =	vgt.s32 v49, $0x1869F;
	vm13 =	vgt.s32 v50, $0x1869F  }
0x7d: {  	v16 =	vld [tilespmem:$0x42C0];
	vm14 =	vgt.s32 v52, $0x1869F;
	vm15 =	vgt.s32 v54, $0x1869F;
	vm5 =	vgt.s32 v13, $0x1869F  }
0x7e: {  	v18 =	vld [tilespmem:$0x42D0];
	vm6 =	vgt.s32 v14, $0x1869F;
	vm7 =	vgt.s32 v15, $0x1869F;
	v7 =	vsel vm8, $0x1869F, v44  }
0x7f: {  	v21 =	vld [tilespmem:$0x42F0];
	v51 =	vsel vm8, $0x1, v0;
	v5 =	vsel vm9, $0x1869F, v46;
	v53 =	vsel vm9, $0x1, v0  }
0x80: {  	v22 =	vld [tilespmem:$0x4300];
	v55 =	vsel vm10, $0x1, v0;
	v57 =	vsel vm12, $0x1, v0;
	v58 =	vsel vm13, $0x1, v0  }
0x81: {  	v36 =	vld [tilespmem:$0x4340];
	v59 =	vsel vm14, $0x1, v0;
	v4 =	vsel vm10, $0x1869F, v47;
	v60 =	vsel vm15, $0x1, v0  }
0x82: {  	v27 =	vld [tilespmem:$0x4350];
	v8 =	vsel vm12, $0x1869F, v49;
	v6 =	vsel vm13, $0x1869F, v50;
	v10 =	vsel vm14, $0x1869F, v52  }
0x83: {  	v3 =	vld [tilespmem:$0x4230];
	v62 =	vsel vm15, $0x1869F, v54;
	v13 =	vsel vm5, $0x1869F, v13;
	v17 =	vsel vm5, $0x1, v0  }
0x84: {  	v14 =	vsel vm6, $0x1869F, v14;
	v19 =	vsel vm6, $0x1, v0;
	v32 =	vsel vm7, $0x1, v0  }
0x85: {  	vm8 =	vgt.s32 v61, $0x1869F;
	v15 =	vsel vm7, $0x1869F, v15;
	vm9 =	vgt.s32 v16, $0x1869F  }
0x86: {  	v40 =	vld [tilespmem:$0x4360];
	vm10 =	vgt.s32 v18, $0x1869F;
	vm12 =	vgt.s32 v21, $0x1869F;
	vm13 =	vgt.s32 v22, $0x1869F  }
0x87: {  	v30 =	vld [tilespmem:$0x4370];
	vm6 =	vgt.s32 v36, $0x1869F;
	vm7 =	vgt.s32 v27, $0x1869F;
	v9 =	vadd.s32 v53, v51  }
0x88: {  	vm11 =	vgt.s32 v3, $0x1869F;
	v17 =	vadd.s32 v19, v17;
	v33 =	vsel vm8, $0x1, v0  }
0x89: {  	v20 =	vld [tilespmem:$0x42E0];
	v11 =	vsel vm8, $0x1869F, v61;
	v16 =	vsel vm9, $0x1869F, v16;
	v23 =	vsel vm9, $0x1, v0  }
0x8a: {  	v34 =	vsel vm10, $0x1, v0;
	v26 =	vsel vm12, $0xFFFFFFFF, v26;
	v18 =	vsel vm10, $0x1869F, v18  }
0x8b: {  	v37 =	vsel vm12, $0x1, v0;
	v28 =	vsel vm13, $0x1, v0;
	v43 =	vsel vm6, $0x1, v0  }
0x8c: {  	v31 =	vld [tilespmem:$0x4380];
	v45 =	vsel vm7, $0x1, v0;
	vm8 =	vgt.s32 v40, $0x1869F;
	vm9 =	vgt.s32 v30, $0x1869F  }
0x8d: {  	v52 =	vld [tilespmem:$0x43E0];
	v9 =	vadd.s32 v55, v9;
	v56 =	vsel vm11, $0x1, v0;
	v3 =	vsel vm11, $0x1869F, v3  }
0x8e: {  	v19 =	vld [tilespmem:$0x4310];
	v17 =	vadd.s32 v32, v17;
	vm11 =	vgt.s32 v20, $0x1869F;
	v48 =	vsel vm8, $0x1, v0  }
0x8f: {  	v51 =	vld [tilespmem:$0x43D0];
	v9 =	vadd.s32 v56, v9;
	v17 =	vadd.s32 v33, v17;
	v25 =	vsel vm11, $0xFFFFFFFF, v25  }
0x90: {  	v46 =	vld [tilespmem:$0x43B0];
	v35 =	vsel vm11, $0x1, v0;
	[tilespmem:$0x4630] =	vst v3;
	v3 =	vsel vm9, $0x1, v0;
	v9 =	vadd.s32 v57, v9  }
0x91: {  	v32 =	vld [tilespmem:$0x4390];
	v17 =	vadd.s32 v23, v17;
	v23 =	vsel vm13, $0xFFFFFFFF, v38;
	vm13 =	vgt.s32 v31, $0x1869F  }
0x92: {  	v24 =	vld [tilespmem:$0x4320];
	v9 =	vadd.s32 v58, v9;
	v17 =	vadd.s32 v34, v17;
	v53 =	vsel vm13, $0x1, v0  }
0x93: {  	v33 =	vld [tilespmem:$0x43A0];
	vm1 =	vgt.s32 v52, $0x1869F;
	v9 =	vadd.s32 v59, v9;
	v17 =	vadd.s32 v35, v17  }
0x94: {  	[tilespmem:$0x1FFC0] =	vst v25;
	v25 =	vld [tilespmem:$0x4330];
	vm14 =	vgt.s32 v19, $0x1869F;
	vm0 =	vgt.s32 v51, $0x1869F;
	v59 =	vsel vm1, $0x1, v0  }
0x95: {  	[tilespmem:$0x1FFE0] =	vst v23;
	v9 =	vor.u32 v60, v9;
	v17 =	vor.u32 v37, v17;
	v23 =	vsel vm14, $0xFFFFFFFF, v39  }
0x96: {  	v29 =	vsel vm14, $0x1, v0;
	vm10 =	vgt.s32 v32, $0x1869F;
	vm14 =	vgt.s32 v46, $0x1869F  }
0x97: {  	v49 =	vld [tilespmem:$0x43C0];
	vm4 =	vne.s32 v9, $0x0;
	v28 =	vadd.s32 v29, v28;
	vm15 =	vne.s32 v17, $0x0  }
0x98: {  	v34 =	vsel vm10, $0x1, v0;
	vm12 =	vgt.s32 v33, $0x1869F;
	v56 =	vsel vm14, $0x1, v0  }
0x99: {  	v63 =	vmpcnt.ones.xlane vm4;
	vm4 =	vgt.s32 v24, $0x1869F;
	vm5 =	vgt.s32 v25, $0x1869F  }
0x9a: {  	v35 =	vld [tilespmem:$0x43F0];
	v50 =	vmpcnt.ones.xlane vm15;
	v54 =	vadd.s32 v34, v53;
	v41 =	vsel vm4, $0x1, v0  }
0x9b: {  	v55 =	vsel vm12, $0x1, v0;
	v42 =	vsel vm5, $0x1, v0;
	v28 =	vadd.s32 v41, v28  }
0x9c: {  	[tilespmem:$0x4650] =	vst v6;
	vm15 =	vgt.s32 v49, $0x1869F;
	v6 =	vadd.s32 v55, v54;
	v28 =	vadd.s32 v42, v28  }
0x9d: {  	v57 =	vsel vm15, $0x1, v0;
	v6 =	vadd.s32 v56, v6;
	v44 =	vadd.s32 v43, v28  }
0x9e: {  	v58 =	vsel vm0, $0x1, v0;
	v6 =	vadd.s32 v57, v6;
	v47 =	vadd.s32 v45, v44  }
0x9f: {  	[tilespmem:$0x4610] =	vst v5;
	vm11 =	vgt.s32 v35, $0x1869F;
	v6 =	vadd.s32 v58, v6;
	v5 =	vadd.s32 v48, v47  }
0xa0: {  	v61 =	vsel vm11, $0x1, v0;
	v60 =	vadd.s32 v59, v6;
	v3 =	vor.u32 v3, v5  }
0xa1: {  	(v2sf) =	vpush v2, $0x0;
	[tilespmem:$0x4600] =	vst v7;
	v2 =	vor.u32 v61, v60;
	vm2 =	vne.s32 v3, $0x0  }
0xa2: {  	[tilespmem:$0x4620] =	vst v4;
	v3 =	vmpcnt.ones.xlane vm2;
	vm2 =	vne.s32 v2, $0x0;
	v2 =	vld [tilespmem:$0x1FFC0]  }
0xa3: {  	[tilespmem:$0x4640] =	vst v8  }
0xa4: {  	[tilespmem:$0x4660] =	vst v10  }
0xa5: {  	[tilespmem:$0x4670] =	vst v62  }
0xa6: {  	[tilespmem:$0x4680] =	vst v13  }
0xa7: {  	[tilespmem:$0x1FFD0] =	vst v26;
	vm3 =	vnez.u8 v2  }
0xa8: {  	[tilespmem:$0x1FFF0] =	vst v23;
	(v2sf) =	vpush v63, $0x0;
	v63 =	vld [tilespmem:$0x1FFD0];
	v2 =	vsel vm3, $0x1869F, v20  }
0xa9: {  	(v2sf) =	vpush v50, $0x0;
	[tilespmem:$0x46E0] =	vst v2;
	v2 =	vld [tilespmem:$0x1FFE0]  }
0xaa: {  	[tilespmem:$0x4690] =	vst v14;
	(v2sf) =	vpush v3, $0x0;
	v3 =	vld [tilespmem:$0x1FFF0]  }
0xab: {  	[tilespmem:$0x46A0] =	vst v15  }
0xac: {  	[tilespmem:$0x46B0] =	vst v11  }
0xad: {  	[tilespmem:$0x46C0] =	vst v16;
	v62 =	vmpcnt.ones.xlane vm2;
	vm2 =	vnez.u8 v63  }
0xae: {  	[tilespmem:$0x46D0] =	vst v18;
	v4 =	vsel vm2, $0x1869F, v21;
	vm2 =	vnez.u8 v2  }
0xaf: {  	[tilespmem:$0x46F0] =	vst v4;
	(v2sf) =	vpush v62, $0x0;
	v2 =	vsel vm2, $0x1869F, v22;
	vm2 =	vnez.u8 v3  }
0xb0: {  	v3 =	vsel vm2, $0x1869F, v19;
	[tilespmem:$0x4700] =	vst v2  }
0xb1: {  	v2 =	vsel vm4, $0x1869F, v24;
	[tilespmem:$0x4710] =	vst v3  }
0xb2: {  	v3 =	vsel vm5, $0x1869F, v25;
	[tilespmem:$0x4720] =	vst v2  }
0xb3: {  	v2 =	vsel vm6, $0x1869F, v36;
	[tilespmem:$0x4730] =	vst v3  }
0xb4: {  	v3 =	vsel vm7, $0x1869F, v27;
	[tilespmem:$0x4740] =	vst v2  }
0xb5: {  	v2 =	vsel vm8, $0x1869F, v40;
	[tilespmem:$0x4750] =	vst v3  }
0xb6: {  	v3 =	vsel vm9, $0x1869F, v30;
	[tilespmem:$0x4760] =	vst v2  }
0xb7: {  	s24 =	spop (v2sf);
	v2 =	vsel vm13, $0x1869F, v31;
	[tilespmem:$0x4770] =	vst v3  }
0xb8: {  	[smem:$0x0] =	sst s24;
	s29 =	spop (v2sf);
	v3 =	vsel vm10, $0x1869F, v32;
	[tilespmem:$0x4780] =	vst v2  }
0xb9: {  	[smem:$0x1] =	sst s29;
	s22 =	spop (v2sf);
	v2 =	vsel vm12, $0x1869F, v33;
	[tilespmem:$0x4790] =	vst v3  }
0xba: {  	[smem:$0x2] =	sst s22;
	s31 =	spop (v2sf);
	v3 =	vsel vm14, $0x1869F, v46;
	[tilespmem:$0x47A0] =	vst v2  }
0xbb: {  	[smem:$0x3] =	sst s31;
	s29 =	spop (v2sf);
	v2 =	vsel vm15, $0x1869F, v49;
	[tilespmem:$0x47B0] =	vst v3  }
0xbc: {  	s31 =	spop (v2sf);
	[smem:$0x4] =	sst s29;
	v3 =	vsel vm0, $0x1869F, v51;
	[tilespmem:$0x47C0] =	vst v2  }
0xbd: {  	[smem:$0x5] =	sst s31;
	s22 =	spop (v2sf);
	v2 =	vsel vm1, $0x1869F, v52;
	[tilespmem:$0x47D0] =	vst v3  }
0xbe: {  	[smem:$0x6] =	sst s22;
	s20 =	spop (v2sf);
	[tilespmem:$0x47E0] =	vst v2;
	v2 =	vsel vm11, $0x1869F, v35  }
0xbf: {  	[smem:$0x7] =	sst s20;
	[tilespmem:$0x47F0] =	vst v2  }
0xc0: {  	p0 =	slt.s32 s24, $0x1;
	_ =	swait.ge [sflag:s26], $0x4000  }
.Ltmp2:
0xc1: {  	[sflag:s26] =	ssyncset.done $0x0;
	(pc) =	sbr.rel @!p0 .LBB2_2-.Ltmp2, $4  }
0xc2: {  	[sflag:s26] =	ssyncadd.s32 $0xFFFFC000  }
0xc3: {  	_ =	swait.ge [sflag:s28], $0x4000  }
0xc4: {  	[sflag:s28] =	ssyncset.done $0x0  }
0xc5: {  	s24 =	simm.s32 $0x0;
	[sflag:s28] =	ssyncadd.s32 $0xFFFFC000  }
.LBB2_7:
0xc6: {  	s24 =	simm.s32 $0x0  }
0xc7: {  	[hbm4b:s5+s24] =	stream.linear.scatter [tilespmem:s19], [sflag:$0x2], $0x4000, $0x38;
	[tilespmem:$0x1C800] =	vst v63  }
0xc8: {  	s29 =	simm.s32 $0x4600  }
0xc9: {  	[tilespmem:s30], [sflag:$0x1] =	stream.indirect.gather [hbm4b:s1+s17], $0x80, s29, s17, $0xb8;
	[tilespmem:$0x1C800] =	vst v63  }
0xca: {  	_ =	swait.ge [sflag:s28], $0x4000  }
0xcb: {  	[sflag:s28] =	ssyncset.done $0x0  }
0xcc: {  	[sflag:s28] =	ssyncadd.s32 $0xFFFFC000  }
0xcd: {  	s31 =	sld [smem:$0x1];
	_ =	sdelay $0x2  }
0xce: {  	p0 =	slt.s32 s31, $0x1  }
.Ltmp3:
0xcf: {  	_ = 	snop;
	(pc) =	sbr.rel @!p0 .LBB2_8-.Ltmp3, $1  }
0xd0: {  	_ =	sdelay $0x3  }
.LBB2_13:
0xd1: {  	s24 =	simm.s32 $0x0  }
0xd2: {  	[hbm4b:s7+s24] =	stream.linear.scatter [tilespmem:s21], [sflag:$0x2], $0x4000, $0x38;
	[tilespmem:$0x1C800] =	vst v63  }
0xd3: {  	s29 =	simm.s32 $0x4680  }
0xd4: {  	[tilespmem:s0], [sflag:$0x1] =	stream.indirect.gather [hbm4b:s1+s17], $0x80, s29, s17, $0xb8;
	[tilespmem:$0x1C800] =	vst v63  }
0xd5: {  	_ =	swait.ge [sflag:s28], $0x4000  }
0xd6: {  	[sflag:s28] =	ssyncset.done $0x0  }
0xd7: {  	[sflag:s28] =	ssyncadd.s32 $0xFFFFC000  }
0xd8: {  	s31 =	sld [smem:$0x2];
	_ =	sdelay $0x2  }
0xd9: {  	p0 =	slt.s32 s31, $0x1  }
.Ltmp4:
0xda: {  	_ = 	snop;
	(pc) =	sbr.rel @!p0 .LBB2_14-.Ltmp4, $1  }
0xdb: {  	_ =	sdelay $0x3  }
.LBB2_19:
0xdc: {  	s24 =	simm.s32 $0x0  }
0xdd: {  	[hbm4b:s8+s24] =	stream.linear.scatter [tilespmem:s23], [sflag:$0x2], $0x4000, $0x38;
	[tilespmem:$0x1C800] =	vst v63  }
0xde: {  	_ =	swait.ge [sflag:s2], $0x4000  }
0xdf: {  	[sflag:s2] =	ssyncset.done $0x0  }
0xe0: {  	[sflag:s2] =	ssyncadd.s32 $0xFFFFC000  }
0xe1: {  	[tilespmem:s19], [sflag:$0x1] =	stream.indirect.gather [hbm4b:s1+s17], $0x80, s3, s17, $0xb8;
	[tilespmem:$0x1C800] =	vst v63  }
0xe2: {  	_ =	swait.ge [sflag:s28], $0x4000  }
0xe3: {  	[sflag:s28] =	ssyncset.done $0x0  }
0xe4: {  	[sflag:s28] =	ssyncadd.s32 $0xFFFFC000  }
0xe5: {  	s29 =	sld [smem:$0x3];
	_ =	sdelay $0x2  }
0xe6: {  	p0 =	slt.s32 s29, $0x1  }
.Ltmp5:
0xe7: {  	_ = 	snop;
	(pc) =	sbr.rel @!p0 .LBB2_20-.Ltmp5, $1  }
0xe8: {  	_ =	sdelay $0x3  }
.LBB2_25:
0xe9: {  	s24 =	simm.s32 $0x0  }
0xea: {  	[hbm4b:s9+s24] =	stream.linear.scatter [tilespmem:s25], [sflag:$0x2], $0x4000, $0x38;
	[tilespmem:$0x1C800] =	vst v63  }
0xeb: {  	_ =	swait.ge [sflag:s2], $0x4000  }
0xec: {  	[sflag:s2] =	ssyncset.done $0x0  }
0xed: {  	[sflag:s2] =	ssyncadd.s32 $0xFFFFC000  }
0xee: {  	[tilespmem:s21], [sflag:$0x1] =	stream.indirect.gather [hbm4b:s1+s17], $0x80, s15, s17, $0xb8;
	[tilespmem:$0x1C800] =	vst v63  }
0xef: {  	_ =	swait.ge [sflag:s28], $0x4000  }
0xf0: {  	[sflag:s28] =	ssyncset.done $0x0  }
0xf1: {  	[sflag:s28] =	ssyncadd.s32 $0xFFFFC000  }
0xf2: {  	s29 =	sld [smem:$0x4];
	_ =	sdelay $0x2  }
0xf3: {  	p0 =	slt.s32 s29, $0x1  }
.Ltmp6:
0xf4: {  	_ = 	snop;
	(pc) =	sbr.rel @!p0 .LBB2_26-.Ltmp6, $1  }
0xf5: {  	_ =	sdelay $0x3  }
.LBB2_31:
0xf6: {  	s24 =	simm.s32 $0x0  }
0xf7: {  	[hbm4b:s10+s24] =	stream.linear.scatter [tilespmem:s30], [sflag:$0x2], $0x4000, $0x38;
	[tilespmem:$0x1C800] =	vst v63  }
0xf8: {  	_ =	swait.ge [sflag:s28], $0x4000  }
0xf9: {  	[sflag:s28] =	ssyncset.done $0x0  }
0xfa: {  	[sflag:s28] =	ssyncadd.s32 $0xFFFFC000  }
0xfb: {  	s29 =	sld [smem:$0x5];
	_ =	sdelay $0x2  }
0xfc: {  	p0 =	slt.s32 s29, $0x1  }
.Ltmp7:
0xfd: {  	_ = 	snop;
	(pc) =	sbr.rel @!p0 .LBB2_32-.Ltmp7, $1  }
0xfe: {  	_ =	sdelay $0x3  }
.LBB2_37:
0xff: {  	p0 =	slt.s32 s22, $0x1  }
.Ltmp8:
0x100: {  	s24 =	simm.s32 $0x0;
	(pc) =	sbr.rel @!p0 .LBB2_38-.Ltmp8, $4  }
0x101: {  	[hbm4b:s11+s24] =	stream.linear.scatter [tilespmem:s0], [sflag:$0x2], $0x4000, $0x38;
	[tilespmem:$0x1C800] =	vst v63  }
0x102: {  	_ =	swait.ge [sflag:s28], $0x4000  }
0x103: {  	[sflag:s28] =	ssyncset.done $0x0  }
0x104: {  	[sflag:s28] =	ssyncadd.s32 $0xFFFFC000  }
.LBB2_43:
0x105: {  	s22 =	simm.s32 $0x0;
	p0 =	slt.s32 s20, $0x1  }
0x106: {  	[hbm4b:s12+s22] =	stream.linear.scatter [tilespmem:s19], [sflag:$0x2], $0x4000, $0x38;
	[tilespmem:$0x1C800] =	vst v63  }
.Ltmp9:
0x107: {  	_ = 	snop;
	(pc) =	sbr.rel @!p0 .LBB2_44-.Ltmp9, $4  }
.Ltmp10:
0x108: {  	_ = 	snop;
	(pc) =	sbr.rel @p0 .LBB2_49-.Ltmp10, $4  }
0x109: {  	_ =	swait.ge [sflag:s28], $0x4000  }
0x10a: {  	[sflag:s28] =	ssyncset.done $0x0  }
0x10b: {  	[sflag:s28] =	ssyncadd.s32 $0xFFFFC000  }
0x10c: {  	_ = 	snop  }
.LBB2_6:
0x10d: {  	s24 =	sadd.s32 $0x1, s24  }
0x10e: {  	p0 =	sne.s32 s24, $0x8  }
.Ltmp11:
0x10f: {  	_ = 	snop;
	(pc) =	sbr.rel @!p0 .LBB2_7-.Ltmp11, $1  }
0x110: {  	_ =	sdelay $0x3  }
.LBB2_2:
0x111: {  	s29 =	sshll.u32 s24, $0x4  }
0x112: {  	v2 =	vld [tilespmem:s29+$0x4000];
	_ =	sdelay $0x4  }
0x113: {  	vm0 =	vgt.s32 v2, $0x1869F  }
0x114: {  	v3 =	vmpcnt.ones.xlane vm0;
	_ =	sdelay $0x1  }
0x115: {  	(v2sf) =	vpush v3, $0x0;
	_ =	sdelay $0xe  }
0x116: {  	s31 =	spop (v2sf)  }
0x117: {  	p0 =	slt.s32 s31, $0x1  }
.Ltmp12:
0x118: {  	_ = 	snop;
	(pc) =	sbr.rel @p0 .LBB2_6-.Ltmp12, $1  }
0x119: {  	_ =	sdelay $0x3  }
0x11a: {  	v2 =	vadd.s32 $0xFFFE7960, v2;
	s31 =	simm.s32 $0x0  }
0x11b: {  	vm1 =	vgt.s32 v2, $0x0;
	v3 =	vmov s31  }
0x11c: {  	v2 =	vnsel vm1, $0x0, v2;
	v3 =	vand.u32 $0x7F, v3  }
0x11d: {  	v2 =	vmin.u32 v2, $0x7F;
	v6 =	vbroadcast v3, $0x0  }
0x11e: {  	v2 =	vshll.u32 v2, $0x7  }
0x11f: {  	v5 =	vor.u32 v2, v6  }
0x120: {  	s31 =	simm.s32 $0x1  }
0x121: {  	v4 =	vmov s29;
	v3 =	vmov s31  }
0x122: {  	v7 =	vshll.u32 v4, $0x7;
	v3 =	vand.u32 $0x7F, v3  }
0x123: {  	v4 =	vbroadcast v3, $0x0;
	v3 =	vor.u32 v1, v7  }
0x124: {  	v7 =	vor.u32 v3, v6;
	v5 =	vld.idx.msk [tilespmem:v5+s4+$0x0], vm0  }
0x125: {  	v6 =	vor.u32 v2, v4;
	_ =	sdelay $0x1  }
0x126: {  	s29 =	simm.s32 $0x2  }
0x127: {  	v8 =	vmov s29;
	s29 =	simm.s32 $0x3  }
.LBB2_4:
0x128: {  	p0 =	sne.s32 s29, $0x7F;
	v8 =	vand.u32 $0x7F, v8;
	[tilespmem:v7+s19+$0x0] =	vst.idx.msk vm0, v5  }
0x129: {  	v8 =	vbroadcast v8, $0x0;
	v5 =	vld.idx.msk [tilespmem:v6+s4+$0x0], vm0  }
.Ltmp13:
0x12a: {  	v7 =	vor.u32 v3, v4;
	(pc) =	sbr.rel @p0 .LBB2_4-.Ltmp13, $2  }
0x12b: {  	v6 =	vor.u32 v2, v8;
	v4 =	vmov v8;
	_ =	sdelay $0x2  }
0x12c: {  	v8 =	vmov s29;
	s29 =	sadd.s32 $0x1, s29  }
0x12d: {  	_ =	sdelay $0x3  }
0x12e: {  	v8 =	vand.u32 $0x7F, v8  }
0x12f: {  	[tilespmem:v7+s19+$0x0] =	vst.idx.msk vm0, v5;
	v63 =	vbroadcast v8, $0x0  }
0x130: {  	v4 =	vor.u32 v3, v4;
	v6 =	vld.idx.msk [tilespmem:v6+s4+$0x0], vm0  }
0x131: {  	v2 =	vor.u32 v2, v63;
	_ =	sdelay $0x3  }
0x132: {  	[tilespmem:v4+s19+$0x0] =	vst.idx.msk vm0, v6  }
0x133: {  	v3 =	vor.u32 v3, v63;
	v2 =	vld.idx.msk [tilespmem:v2+s4+$0x0], vm0  }
.Ltmp14:
0x134: {  	_ = 	snop;
	(pc) =	sbr.rel .LBB2_6-.Ltmp14, $2  }
0x135: {  	_ =	sdelay $0x2  }
0x136: {  	[tilespmem:v3+s19+$0x0] =	vst.idx.msk vm0, v2  }
.LBB2_12:
0x137: {  	s24 =	sadd.s32 $0x1, s24  }
0x138: {  	p0 =	sne.s32 s24, $0x8  }
.Ltmp15:
0x139: {  	_ = 	snop;
	(pc) =	sbr.rel @!p0 .LBB2_13-.Ltmp15, $1  }
0x13a: {  	_ =	sdelay $0x3  }
.LBB2_8:
0x13b: {  	s29 =	sshll.u32 s24, $0x4  }
0x13c: {  	v2 =	vld [tilespmem:s29+$0x4080];
	_ =	sdelay $0x4  }
0x13d: {  	vm0 =	vgt.s32 v2, $0x1869F  }
0x13e: {  	v3 =	vmpcnt.ones.xlane vm0;
	_ =	sdelay $0x1  }
0x13f: {  	(v2sf) =	vpush v3, $0x0;
	_ =	sdelay $0xe  }
0x140: {  	s31 =	spop (v2sf)  }
0x141: {  	p0 =	slt.s32 s31, $0x1  }
.Ltmp16:
0x142: {  	_ = 	snop;
	(pc) =	sbr.rel @p0 .LBB2_12-.Ltmp16, $1  }
0x143: {  	_ =	sdelay $0x3  }
0x144: {  	v2 =	vadd.s32 $0xFFFE7960, v2;
	s31 =	simm.s32 $0x0  }
0x145: {  	vm1 =	vgt.s32 v2, $0x0;
	v3 =	vmov s31  }
0x146: {  	v2 =	vnsel vm1, $0x0, v2;
	v3 =	vand.u32 $0x7F, v3  }
0x147: {  	v2 =	vmin.u32 v2, $0x7F;
	v6 =	vbroadcast v3, $0x0  }
0x148: {  	v2 =	vshll.u32 v2, $0x7  }
0x149: {  	v5 =	vor.u32 v2, v6  }
0x14a: {  	s31 =	simm.s32 $0x1  }
0x14b: {  	v4 =	vmov s29;
	v3 =	vmov s31  }
0x14c: {  	v7 =	vshll.u32 v4, $0x7;
	v3 =	vand.u32 $0x7F, v3  }
0x14d: {  	v4 =	vbroadcast v3, $0x0;
	v3 =	vor.u32 v1, v7  }
0x14e: {  	v7 =	vor.u32 v3, v6;
	v5 =	vld.idx.msk [tilespmem:v5+s4+$0x0], vm0  }
0x14f: {  	v6 =	vor.u32 v2, v4;
	_ =	sdelay $0x1  }
0x150: {  	s29 =	simm.s32 $0x2  }
0x151: {  	v8 =	vmov s29;
	s29 =	simm.s32 $0x3  }
.LBB2_10:
0x152: {  	p0 =	sne.s32 s29, $0x7F;
	v8 =	vand.u32 $0x7F, v8;
	[tilespmem:v7+s21+$0x0] =	vst.idx.msk vm0, v5  }
0x153: {  	v8 =	vbroadcast v8, $0x0;
	v5 =	vld.idx.msk [tilespmem:v6+s4+$0x0], vm0  }
.Ltmp17:
0x154: {  	v7 =	vor.u32 v3, v4;
	(pc) =	sbr.rel @p0 .LBB2_10-.Ltmp17, $2  }
0x155: {  	v6 =	vor.u32 v2, v8;
	v4 =	vmov v8;
	_ =	sdelay $0x2  }
0x156: {  	v8 =	vmov s29;
	s29 =	sadd.s32 $0x1, s29  }
0x157: {  	_ =	sdelay $0x3  }
0x158: {  	v8 =	vand.u32 $0x7F, v8  }
0x159: {  	[tilespmem:v7+s21+$0x0] =	vst.idx.msk vm0, v5;
	v63 =	vbroadcast v8, $0x0  }
0x15a: {  	v4 =	vor.u32 v3, v4;
	v6 =	vld.idx.msk [tilespmem:v6+s4+$0x0], vm0  }
0x15b: {  	v2 =	vor.u32 v2, v63;
	_ =	sdelay $0x3  }
0x15c: {  	[tilespmem:v4+s21+$0x0] =	vst.idx.msk vm0, v6  }
0x15d: {  	v3 =	vor.u32 v3, v63;
	v2 =	vld.idx.msk [tilespmem:v2+s4+$0x0], vm0  }
.Ltmp18:
0x15e: {  	_ = 	snop;
	(pc) =	sbr.rel .LBB2_12-.Ltmp18, $2  }
0x15f: {  	_ =	sdelay $0x2  }
0x160: {  	[tilespmem:v3+s21+$0x0] =	vst.idx.msk vm0, v2  }
.LBB2_18:
0x161: {  	s24 =	sadd.s32 $0x1, s24  }
0x162: {  	p0 =	sne.s32 s24, $0x8  }
.Ltmp19:
0x163: {  	_ = 	snop;
	(pc) =	sbr.rel @!p0 .LBB2_19-.Ltmp19, $1  }
0x164: {  	_ =	sdelay $0x3  }
.LBB2_14:
0x165: {  	s29 =	sshll.u32 s24, $0x4  }
0x166: {  	v2 =	vld [tilespmem:s29+$0x4100];
	_ =	sdelay $0x4  }
0x167: {  	vm0 =	vgt.s32 v2, $0x1869F  }
0x168: {  	v3 =	vmpcnt.ones.xlane vm0;
	_ =	sdelay $0x1  }
0x169: {  	(v2sf) =	vpush v3, $0x0;
	_ =	sdelay $0xe  }
0x16a: {  	s31 =	spop (v2sf)  }
0x16b: {  	p0 =	slt.s32 s31, $0x1  }
.Ltmp20:
0x16c: {  	_ = 	snop;
	(pc) =	sbr.rel @p0 .LBB2_18-.Ltmp20, $1  }
0x16d: {  	_ =	sdelay $0x3  }
0x16e: {  	v2 =	vadd.s32 $0xFFFE7960, v2;
	s31 =	simm.s32 $0x0  }
0x16f: {  	vm1 =	vgt.s32 v2, $0x0;
	v3 =	vmov s31  }
0x170: {  	v2 =	vnsel vm1, $0x0, v2;
	v3 =	vand.u32 $0x7F, v3  }
0x171: {  	v2 =	vmin.u32 v2, $0x7F;
	v6 =	vbroadcast v3, $0x0  }
0x172: {  	v2 =	vshll.u32 v2, $0x7  }
0x173: {  	v5 =	vor.u32 v2, v6  }
0x174: {  	s31 =	simm.s32 $0x1  }
0x175: {  	v4 =	vmov s29;
	v3 =	vmov s31  }
0x176: {  	v7 =	vshll.u32 v4, $0x7;
	v3 =	vand.u32 $0x7F, v3  }
0x177: {  	v4 =	vbroadcast v3, $0x0;
	v3 =	vor.u32 v1, v7  }
0x178: {  	v7 =	vor.u32 v3, v6;
	v5 =	vld.idx.msk [tilespmem:v5+s4+$0x0], vm0  }
0x179: {  	v6 =	vor.u32 v2, v4;
	_ =	sdelay $0x1  }
0x17a: {  	s29 =	simm.s32 $0x2  }
0x17b: {  	v8 =	vmov s29;
	s29 =	simm.s32 $0x3  }
.LBB2_16:
0x17c: {  	p0 =	sne.s32 s29, $0x7F;
	v8 =	vand.u32 $0x7F, v8;
	[tilespmem:v7+s23+$0x0] =	vst.idx.msk vm0, v5  }
0x17d: {  	v8 =	vbroadcast v8, $0x0;
	v5 =	vld.idx.msk [tilespmem:v6+s4+$0x0], vm0  }
.Ltmp21:
0x17e: {  	v7 =	vor.u32 v3, v4;
	(pc) =	sbr.rel @p0 .LBB2_16-.Ltmp21, $2  }
0x17f: {  	v6 =	vor.u32 v2, v8;
	v4 =	vmov v8;
	_ =	sdelay $0x2  }
0x180: {  	v8 =	vmov s29;
	s29 =	sadd.s32 $0x1, s29  }
0x181: {  	_ =	sdelay $0x3  }
0x182: {  	v8 =	vand.u32 $0x7F, v8  }
0x183: {  	[tilespmem:v7+s23+$0x0] =	vst.idx.msk vm0, v5;
	v63 =	vbroadcast v8, $0x0  }
0x184: {  	v4 =	vor.u32 v3, v4;
	v6 =	vld.idx.msk [tilespmem:v6+s4+$0x0], vm0  }
0x185: {  	v2 =	vor.u32 v2, v63;
	_ =	sdelay $0x3  }
0x186: {  	[tilespmem:v4+s23+$0x0] =	vst.idx.msk vm0, v6  }
0x187: {  	v3 =	vor.u32 v3, v63;
	v2 =	vld.idx.msk [tilespmem:v2+s4+$0x0], vm0  }
.Ltmp22:
0x188: {  	_ = 	snop;
	(pc) =	sbr.rel .LBB2_18-.Ltmp22, $2  }
0x189: {  	_ =	sdelay $0x2  }
0x18a: {  	[tilespmem:v3+s23+$0x0] =	vst.idx.msk vm0, v2  }
.LBB2_24:
0x18b: {  	s24 =	sadd.s32 $0x1, s24  }
0x18c: {  	p0 =	sne.s32 s24, $0x8  }
.Ltmp23:
0x18d: {  	_ = 	snop;
	(pc) =	sbr.rel @!p0 .LBB2_25-.Ltmp23, $1  }
0x18e: {  	_ =	sdelay $0x3  }
.LBB2_20:
0x18f: {  	s29 =	sshll.u32 s24, $0x4  }
0x190: {  	v2 =	vld [tilespmem:s29+$0x4180];
	_ =	sdelay $0x4  }
0x191: {  	vm0 =	vgt.s32 v2, $0x1869F  }
0x192: {  	v3 =	vmpcnt.ones.xlane vm0;
	_ =	sdelay $0x1  }
0x193: {  	(v2sf) =	vpush v3, $0x0;
	_ =	sdelay $0xe  }
0x194: {  	s31 =	spop (v2sf)  }
0x195: {  	p0 =	slt.s32 s31, $0x1  }
.Ltmp24:
0x196: {  	_ = 	snop;
	(pc) =	sbr.rel @p0 .LBB2_24-.Ltmp24, $1  }
0x197: {  	_ =	sdelay $0x3  }
0x198: {  	v2 =	vadd.s32 $0xFFFE7960, v2;
	s31 =	simm.s32 $0x0  }
0x199: {  	vm1 =	vgt.s32 v2, $0x0;
	v3 =	vmov s31  }
0x19a: {  	v2 =	vnsel vm1, $0x0, v2;
	v3 =	vand.u32 $0x7F, v3  }
0x19b: {  	v2 =	vmin.u32 v2, $0x7F;
	v6 =	vbroadcast v3, $0x0  }
0x19c: {  	v2 =	vshll.u32 v2, $0x7  }
0x19d: {  	v5 =	vor.u32 v2, v6  }
0x19e: {  	s31 =	simm.s32 $0x1  }
0x19f: {  	v4 =	vmov s29;
	v3 =	vmov s31  }
0x1a0: {  	v7 =	vshll.u32 v4, $0x7;
	v3 =	vand.u32 $0x7F, v3  }
0x1a1: {  	v4 =	vbroadcast v3, $0x0;
	v3 =	vor.u32 v1, v7  }
0x1a2: {  	v7 =	vor.u32 v3, v6;
	v5 =	vld.idx.msk [tilespmem:v5+s4+$0x0], vm0  }
0x1a3: {  	v6 =	vor.u32 v2, v4;
	_ =	sdelay $0x1  }
0x1a4: {  	s29 =	simm.s32 $0x2  }
0x1a5: {  	v8 =	vmov s29;
	s29 =	simm.s32 $0x3  }
.LBB2_22:
0x1a6: {  	p0 =	sne.s32 s29, $0x7F;
	v8 =	vand.u32 $0x7F, v8;
	[tilespmem:v7+s25+$0x0] =	vst.idx.msk vm0, v5  }
0x1a7: {  	v8 =	vbroadcast v8, $0x0;
	v5 =	vld.idx.msk [tilespmem:v6+s4+$0x0], vm0  }
.Ltmp25:
0x1a8: {  	v7 =	vor.u32 v3, v4;
	(pc) =	sbr.rel @p0 .LBB2_22-.Ltmp25, $2  }
0x1a9: {  	v6 =	vor.u32 v2, v8;
	v4 =	vmov v8;
	_ =	sdelay $0x2  }
0x1aa: {  	v8 =	vmov s29;
	s29 =	sadd.s32 $0x1, s29  }
0x1ab: {  	_ =	sdelay $0x3  }
0x1ac: {  	v8 =	vand.u32 $0x7F, v8  }
0x1ad: {  	[tilespmem:v7+s25+$0x0] =	vst.idx.msk vm0, v5;
	v63 =	vbroadcast v8, $0x0  }
0x1ae: {  	v4 =	vor.u32 v3, v4;
	v6 =	vld.idx.msk [tilespmem:v6+s4+$0x0], vm0  }
0x1af: {  	v2 =	vor.u32 v2, v63;
	_ =	sdelay $0x3  }
0x1b0: {  	[tilespmem:v4+s25+$0x0] =	vst.idx.msk vm0, v6  }
0x1b1: {  	v3 =	vor.u32 v3, v63;
	v2 =	vld.idx.msk [tilespmem:v2+s4+$0x0], vm0  }
.Ltmp26:
0x1b2: {  	_ = 	snop;
	(pc) =	sbr.rel .LBB2_24-.Ltmp26, $2  }
0x1b3: {  	_ =	sdelay $0x2  }
0x1b4: {  	[tilespmem:v3+s25+$0x0] =	vst.idx.msk vm0, v2  }
.LBB2_30:
0x1b5: {  	s24 =	sadd.s32 $0x1, s24  }
0x1b6: {  	p0 =	sne.s32 s24, $0x8  }
.Ltmp27:
0x1b7: {  	_ = 	snop;
	(pc) =	sbr.rel @!p0 .LBB2_31-.Ltmp27, $1  }
0x1b8: {  	_ =	sdelay $0x3  }
.LBB2_26:
0x1b9: {  	s29 =	sshll.u32 s24, $0x4  }
0x1ba: {  	v2 =	vld [tilespmem:s29+$0x4200];
	_ =	sdelay $0x4  }
0x1bb: {  	vm0 =	vgt.s32 v2, $0x1869F  }
0x1bc: {  	v3 =	vmpcnt.ones.xlane vm0;
	_ =	sdelay $0x1  }
0x1bd: {  	(v2sf) =	vpush v3, $0x0;
	_ =	sdelay $0xe  }
0x1be: {  	s31 =	spop (v2sf)  }
0x1bf: {  	p0 =	slt.s32 s31, $0x1  }
.Ltmp28:
0x1c0: {  	_ = 	snop;
	(pc) =	sbr.rel @p0 .LBB2_30-.Ltmp28, $1  }
0x1c1: {  	_ =	sdelay $0x3  }
0x1c2: {  	v2 =	vadd.s32 $0xFFFE7960, v2;
	s31 =	simm.s32 $0x0  }
0x1c3: {  	vm1 =	vgt.s32 v2, $0x0;
	v3 =	vmov s31  }
0x1c4: {  	v2 =	vnsel vm1, $0x0, v2;
	v3 =	vand.u32 $0x7F, v3  }
0x1c5: {  	v2 =	vmin.u32 v2, $0x7F;
	v6 =	vbroadcast v3, $0x0  }
0x1c6: {  	v2 =	vshll.u32 v2, $0x7  }
0x1c7: {  	v5 =	vor.u32 v2, v6  }
0x1c8: {  	s31 =	simm.s32 $0x1  }
0x1c9: {  	v4 =	vmov s29;
	v3 =	vmov s31  }
0x1ca: {  	v7 =	vshll.u32 v4, $0x7;
	v3 =	vand.u32 $0x7F, v3  }
0x1cb: {  	v4 =	vbroadcast v3, $0x0;
	v3 =	vor.u32 v1, v7  }
0x1cc: {  	v7 =	vor.u32 v3, v6;
	v5 =	vld.idx.msk [tilespmem:v5+s4+$0x0], vm0  }
0x1cd: {  	v6 =	vor.u32 v2, v4;
	_ =	sdelay $0x1  }
0x1ce: {  	s29 =	simm.s32 $0x2  }
0x1cf: {  	v8 =	vmov s29;
	s29 =	simm.s32 $0x3  }
.LBB2_28:
0x1d0: {  	p0 =	sne.s32 s29, $0x7F;
	v8 =	vand.u32 $0x7F, v8;
	[tilespmem:v7+s30+$0x0] =	vst.idx.msk vm0, v5  }
0x1d1: {  	v8 =	vbroadcast v8, $0x0;
	v5 =	vld.idx.msk [tilespmem:v6+s4+$0x0], vm0  }
.Ltmp29:
0x1d2: {  	v7 =	vor.u32 v3, v4;
	(pc) =	sbr.rel @p0 .LBB2_28-.Ltmp29, $2  }
0x1d3: {  	v6 =	vor.u32 v2, v8;
	v4 =	vmov v8;
	_ =	sdelay $0x2  }
0x1d4: {  	v8 =	vmov s29;
	s29 =	sadd.s32 $0x1, s29  }
0x1d5: {  	_ =	sdelay $0x3  }
0x1d6: {  	v8 =	vand.u32 $0x7F, v8  }
0x1d7: {  	[tilespmem:v7+s30+$0x0] =	vst.idx.msk vm0, v5;
	v63 =	vbroadcast v8, $0x0  }
0x1d8: {  	v4 =	vor.u32 v3, v4;
	v6 =	vld.idx.msk [tilespmem:v6+s4+$0x0], vm0  }
0x1d9: {  	v2 =	vor.u32 v2, v63;
	_ =	sdelay $0x3  }
0x1da: {  	[tilespmem:v4+s30+$0x0] =	vst.idx.msk vm0, v6  }
0x1db: {  	v3 =	vor.u32 v3, v63;
	v2 =	vld.idx.msk [tilespmem:v2+s4+$0x0], vm0  }
.Ltmp30:
0x1dc: {  	_ = 	snop;
	(pc) =	sbr.rel .LBB2_30-.Ltmp30, $2  }
0x1dd: {  	_ =	sdelay $0x2  }
0x1de: {  	[tilespmem:v3+s30+$0x0] =	vst.idx.msk vm0, v2  }
.LBB2_36:
0x1df: {  	s24 =	sadd.s32 $0x1, s24  }
0x1e0: {  	p0 =	sne.s32 s24, $0x8  }
.Ltmp31:
0x1e1: {  	_ = 	snop;
	(pc) =	sbr.rel @!p0 .LBB2_37-.Ltmp31, $1  }
0x1e2: {  	_ =	sdelay $0x3  }
.LBB2_32:
0x1e3: {  	s29 =	sshll.u32 s24, $0x4  }
0x1e4: {  	v2 =	vld [tilespmem:s29+$0x4280];
	_ =	sdelay $0x4  }
0x1e5: {  	vm0 =	vgt.s32 v2, $0x1869F  }
0x1e6: {  	v3 =	vmpcnt.ones.xlane vm0;
	_ =	sdelay $0x1  }
0x1e7: {  	(v2sf) =	vpush v3, $0x0;
	_ =	sdelay $0xe  }
0x1e8: {  	s31 =	spop (v2sf)  }
0x1e9: {  	p0 =	slt.s32 s31, $0x1  }
.Ltmp32:
0x1ea: {  	_ = 	snop;
	(pc) =	sbr.rel @p0 .LBB2_36-.Ltmp32, $1  }
0x1eb: {  	_ =	sdelay $0x3  }
0x1ec: {  	v2 =	vadd.s32 $0xFFFE7960, v2;
	s31 =	simm.s32 $0x0  }
0x1ed: {  	vm1 =	vgt.s32 v2, $0x0;
	v3 =	vmov s31  }
0x1ee: {  	v2 =	vnsel vm1, $0x0, v2;
	v3 =	vand.u32 $0x7F, v3  }
0x1ef: {  	v2 =	vmin.u32 v2, $0x7F;
	v6 =	vbroadcast v3, $0x0  }
0x1f0: {  	v2 =	vshll.u32 v2, $0x7  }
0x1f1: {  	v5 =	vor.u32 v2, v6  }
0x1f2: {  	s31 =	simm.s32 $0x1  }
0x1f3: {  	v4 =	vmov s29;
	v3 =	vmov s31  }
0x1f4: {  	v7 =	vshll.u32 v4, $0x7;
	v3 =	vand.u32 $0x7F, v3  }
0x1f5: {  	v4 =	vbroadcast v3, $0x0;
	v3 =	vor.u32 v1, v7  }
0x1f6: {  	v7 =	vor.u32 v3, v6;
	v5 =	vld.idx.msk [tilespmem:v5+s4+$0x0], vm0  }
0x1f7: {  	v6 =	vor.u32 v2, v4;
	_ =	sdelay $0x1  }
0x1f8: {  	s29 =	simm.s32 $0x2  }
0x1f9: {  	v8 =	vmov s29;
	s29 =	simm.s32 $0x3  }
.LBB2_34:
0x1fa: {  	p0 =	sne.s32 s29, $0x7F;
	v8 =	vand.u32 $0x7F, v8;
	[tilespmem:v7+s0+$0x0] =	vst.idx.msk vm0, v5  }
0x1fb: {  	v8 =	vbroadcast v8, $0x0;
	v5 =	vld.idx.msk [tilespmem:v6+s4+$0x0], vm0  }
.Ltmp33:
0x1fc: {  	v7 =	vor.u32 v3, v4;
	(pc) =	sbr.rel @p0 .LBB2_34-.Ltmp33, $2  }
0x1fd: {  	v6 =	vor.u32 v2, v8;
	v4 =	vmov v8;
	_ =	sdelay $0x2  }
0x1fe: {  	v8 =	vmov s29;
	s29 =	sadd.s32 $0x1, s29  }
0x1ff: {  	_ =	sdelay $0x3  }
0x200: {  	v8 =	vand.u32 $0x7F, v8  }
0x201: {  	[tilespmem:v7+s0+$0x0] =	vst.idx.msk vm0, v5;
	v63 =	vbroadcast v8, $0x0  }
0x202: {  	v4 =	vor.u32 v3, v4;
	v6 =	vld.idx.msk [tilespmem:v6+s4+$0x0], vm0  }
0x203: {  	v2 =	vor.u32 v2, v63;
	_ =	sdelay $0x3  }
0x204: {  	[tilespmem:v4+s0+$0x0] =	vst.idx.msk vm0, v6  }
0x205: {  	v3 =	vor.u32 v3, v63;
	v2 =	vld.idx.msk [tilespmem:v2+s4+$0x0], vm0  }
.Ltmp34:
0x206: {  	_ = 	snop;
	(pc) =	sbr.rel .LBB2_36-.Ltmp34, $2  }
0x207: {  	_ =	sdelay $0x2  }
0x208: {  	[tilespmem:v3+s0+$0x0] =	vst.idx.msk vm0, v2  }
.LBB2_42:
0x209: {  	s24 =	sadd.s32 $0x1, s24  }
0x20a: {  	p0 =	sne.s32 s24, $0x8  }
.Ltmp35:
0x20b: {  	_ = 	snop;
	(pc) =	sbr.rel @!p0 .LBB2_43-.Ltmp35, $1  }
0x20c: {  	_ =	sdelay $0x3  }
.LBB2_38:
0x20d: {  	s22 =	sshll.u32 s24, $0x4  }
0x20e: {  	v2 =	vld [tilespmem:s22+$0x4300];
	_ =	sdelay $0x4  }
0x20f: {  	vm0 =	vgt.s32 v2, $0x1869F  }
0x210: {  	v3 =	vmpcnt.ones.xlane vm0;
	_ =	sdelay $0x1  }
0x211: {  	(v2sf) =	vpush v3, $0x0;
	_ =	sdelay $0xe  }
0x212: {  	s29 =	spop (v2sf)  }
0x213: {  	p0 =	slt.s32 s29, $0x1  }
.Ltmp36:
0x214: {  	_ = 	snop;
	(pc) =	sbr.rel @p0 .LBB2_42-.Ltmp36, $1  }
0x215: {  	_ =	sdelay $0x3  }
0x216: {  	v2 =	vadd.s32 $0xFFFE7960, v2;
	s29 =	simm.s32 $0x0  }
0x217: {  	vm1 =	vgt.s32 v2, $0x0;
	v3 =	vmov s29  }
0x218: {  	v2 =	vnsel vm1, $0x0, v2;
	v3 =	vand.u32 $0x7F, v3  }
0x219: {  	v2 =	vmin.u32 v2, $0x7F;
	v6 =	vbroadcast v3, $0x0  }
0x21a: {  	v2 =	vshll.u32 v2, $0x7  }
0x21b: {  	v5 =	vor.u32 v2, v6  }
0x21c: {  	s31 =	simm.s32 $0x1  }
0x21d: {  	v4 =	vmov s22;
	v3 =	vmov s31  }
0x21e: {  	v7 =	vshll.u32 v4, $0x7;
	v3 =	vand.u32 $0x7F, v3  }
0x21f: {  	v4 =	vbroadcast v3, $0x0;
	v3 =	vor.u32 v1, v7  }
0x220: {  	v7 =	vor.u32 v3, v6;
	v5 =	vld.idx.msk [tilespmem:v5+s4+$0x0], vm0  }
0x221: {  	v6 =	vor.u32 v2, v4;
	_ =	sdelay $0x1  }
0x222: {  	s31 =	simm.s32 $0x2  }
0x223: {  	s22 =	simm.s32 $0x3;
	v8 =	vmov s31  }
.LBB2_40:
0x224: {  	p0 =	sne.s32 s22, $0x7F;
	v8 =	vand.u32 $0x7F, v8;
	[tilespmem:v7+s19+$0x0] =	vst.idx.msk vm0, v5  }
0x225: {  	v8 =	vbroadcast v8, $0x0;
	v5 =	vld.idx.msk [tilespmem:v6+s4+$0x0], vm0  }
.Ltmp37:
0x226: {  	v7 =	vor.u32 v3, v4;
	(pc) =	sbr.rel @p0 .LBB2_40-.Ltmp37, $2  }
0x227: {  	v6 =	vor.u32 v2, v8;
	v4 =	vmov v8;
	_ =	sdelay $0x2  }
0x228: {  	v8 =	vmov s22;
	s22 =	sadd.s32 $0x1, s22  }
0x229: {  	_ =	sdelay $0x3  }
0x22a: {  	v8 =	vand.u32 $0x7F, v8  }
0x22b: {  	[tilespmem:v7+s19+$0x0] =	vst.idx.msk vm0, v5;
	v63 =	vbroadcast v8, $0x0  }
0x22c: {  	v4 =	vor.u32 v3, v4;
	v6 =	vld.idx.msk [tilespmem:v6+s4+$0x0], vm0  }
0x22d: {  	v2 =	vor.u32 v2, v63;
	_ =	sdelay $0x3  }
0x22e: {  	[tilespmem:v4+s19+$0x0] =	vst.idx.msk vm0, v6  }
0x22f: {  	v3 =	vor.u32 v3, v63;
	v2 =	vld.idx.msk [tilespmem:v2+s4+$0x0], vm0  }
.Ltmp38:
0x230: {  	_ = 	snop;
	(pc) =	sbr.rel .LBB2_42-.Ltmp38, $2  }
0x231: {  	_ =	sdelay $0x2  }
0x232: {  	[tilespmem:v3+s19+$0x0] =	vst.idx.msk vm0, v2  }
.LBB2_48:
0x233: {  	s22 =	sadd.s32 $0x1, s22  }
0x234: {  	p0 =	sne.s32 s22, $0x8  }
.Ltmp39:
0x235: {  	_ = 	snop;
	(pc) =	sbr.rel @!p0 .LBB2_49-.Ltmp39, $1  }
0x236: {  	_ =	sdelay $0x3  }
.LBB2_44:
0x237: {  	s20 =	sshll.u32 s22, $0x4  }
0x238: {  	v2 =	vld [tilespmem:s20+$0x4380];
	_ =	sdelay $0x4  }
0x239: {  	vm0 =	vgt.s32 v2, $0x1869F  }
0x23a: {  	v3 =	vmpcnt.ones.xlane vm0;
	_ =	sdelay $0x1  }
0x23b: {  	(v2sf) =	vpush v3, $0x0;
	_ =	sdelay $0xe  }
0x23c: {  	s24 =	spop (v2sf)  }
0x23d: {  	p0 =	slt.s32 s24, $0x1  }
.Ltmp40:
0x23e: {  	_ = 	snop;
	(pc) =	sbr.rel @p0 .LBB2_48-.Ltmp40, $1  }
0x23f: {  	_ =	sdelay $0x3  }
0x240: {  	v2 =	vadd.s32 $0xFFFE7960, v2;
	s24 =	simm.s32 $0x0  }
0x241: {  	vm1 =	vgt.s32 v2, $0x0;
	v3 =	vmov s24  }
0x242: {  	v2 =	vnsel vm1, $0x0, v2;
	v3 =	vand.u32 $0x7F, v3  }
0x243: {  	v2 =	vmin.u32 v2, $0x7F;
	v6 =	vbroadcast v3, $0x0  }
0x244: {  	v2 =	vshll.u32 v2, $0x7  }
0x245: {  	v5 =	vor.u32 v2, v6  }
0x246: {  	s29 =	simm.s32 $0x1  }
0x247: {  	v4 =	vmov s20;
	v3 =	vmov s29  }
0x248: {  	v7 =	vshll.u32 v4, $0x7;
	v3 =	vand.u32 $0x7F, v3  }
0x249: {  	v4 =	vbroadcast v3, $0x0;
	v3 =	vor.u32 v1, v7  }
0x24a: {  	v7 =	vor.u32 v3, v6;
	v5 =	vld.idx.msk [tilespmem:v5+s4+$0x0], vm0  }
0x24b: {  	v6 =	vor.u32 v2, v4;
	_ =	sdelay $0x1  }
0x24c: {  	s31 =	simm.s32 $0x2  }
0x24d: {  	s20 =	simm.s32 $0x3;
	v8 =	vmov s31  }
.LBB2_46:
0x24e: {  	p0 =	sne.s32 s20, $0x7F;
	v8 =	vand.u32 $0x7F, v8;
	[tilespmem:v7+s21+$0x0] =	vst.idx.msk vm0, v5  }
0x24f: {  	v8 =	vbroadcast v8, $0x0;
	v5 =	vld.idx.msk [tilespmem:v6+s4+$0x0], vm0  }
.Ltmp41:
0x250: {  	v7 =	vor.u32 v3, v4;
	(pc) =	sbr.rel @p0 .LBB2_46-.Ltmp41, $2  }
0x251: {  	v6 =	vor.u32 v2, v8;
	v4 =	vmov v8;
	_ =	sdelay $0x2  }
0x252: {  	v8 =	vmov s20;
	s20 =	sadd.s32 $0x1, s20  }
0x253: {  	_ =	sdelay $0x3  }
0x254: {  	v8 =	vand.u32 $0x7F, v8  }
0x255: {  	[tilespmem:v7+s21+$0x0] =	vst.idx.msk vm0, v5;
	v63 =	vbroadcast v8, $0x0  }
0x256: {  	v4 =	vor.u32 v3, v4;
	v6 =	vld.idx.msk [tilespmem:v6+s4+$0x0], vm0  }
0x257: {  	v2 =	vor.u32 v2, v63;
	_ =	sdelay $0x3  }
0x258: {  	[tilespmem:v4+s21+$0x0] =	vst.idx.msk vm0, v6  }
0x259: {  	v3 =	vor.u32 v3, v63;
	v2 =	vld.idx.msk [tilespmem:v2+s4+$0x0], vm0  }
.Ltmp42:
0x25a: {  	_ = 	snop;
	(pc) =	sbr.rel .LBB2_48-.Ltmp42, $2  }
0x25b: {  	_ =	sdelay $0x2  }
0x25c: {  	[tilespmem:v3+s21+$0x0] =	vst.idx.msk vm0, v2  }
.LBB2_50:
0x25d: {  	_ =	sfence.sel $0x180000  }
0x25e: {  	[bflag:$0x0] =	sbarrier.arrive $0xFFFF  }
0x25f: {  	_ =	strace $0x90000047  }
0x260: {  	s0 =	stileid.u32;
	[bflag:$0x2] =	sbarrier.arrive $0xFFFF  }
0x261: {  	p0 =	sne.s32 s0, $0x0;
	s0 =	rddreg [dreg:$0x4]  }
0x262: {  	s0 =	sadd.s32 @!p0 $0x100000, s0  }
0x263: {  	[sflag:s0] =	ssyncadd.tile.s32 @!p0 $0x1;
	_ =	shalt  }
.Lfunc_end2:
_tile_overlayer_lowered:
.L_overlay_start_2:
0x264: {  	(tag) =	ssettag $0x2  }
0x265: {  	s0 =	rddreg [dreg:$0x0];
	s2 =	stileid.u32  }
0x266: {  	s1 =	rddreg [dreg:$0x1];
	p0 =	sne.s32 s2, $0x0  }
0x267: {  	s3 =	rddreg [dreg:$0x2];
	[bflag:$0x3] =	sbarrier.arrive $0xFFFF;
	s2 =	simm.s32 @!p0 $0x1C04  }
0x268: {  	[timem:s3], [sflag:s2] =	dma.local @!p0 [hbm:s0], s1  }
0x269: {  	s0 =	simm.s32 @!p0 $0x4  }
0x26a: {  	_ =	swait.ge @!p0 [sflag:s0], s1  }
0x26b: {  	s1 =	ssub.s32 @!p0 $0x0, s1;
	[sflag:s0] =	ssyncset.done @!p0 $0x0  }
0x26c: {  	[sflag:s0] =	ssyncadd.s32 @!p0 s1  }
0x26d: {  	[bflag:$0x3] =	sbarrier.arrive $0xFFFF  }
0x26e: {  	_ =	shalt  }

</sc_bundles>
